<compile_context>
chip_gen: v7x
topology: tpu7x:2x2x1
jax: 0.10.2.dev20260603
libtpu: 0.0.44.dev20260713+nightly
codegen_flags: <defaults>
</compile_context>

<pallas_src>
import functools

import jax
import jax.numpy as jnp
from jax import lax
from jax.experimental import pallas as pl
from jax.experimental.pallas import tpu as pltpu
from jax.experimental.pallas import tpu_sc as plsc

N_SPARSE = 26
N_DENSE = 13
VOCAB = 100000
EMB = 16
LAYER_NUM = 3
DIM = N_SPARSE * EMB + N_DENSE
NF = N_SPARSE * EMB

NW = 32
FPC = 13


@functools.cache
def _make_gather_t(b_total: int):
    assert b_total % NW == 0
    bs = b_total // NW
    rows = FPC * EMB

    mesh = plsc.VectorSubcoreMesh(core_axis_name="c", subcore_axis_name="s")

    @functools.partial(
        pl.kernel,
        mesh=mesh,
        out_type=jax.ShapeDtypeStruct((NF, b_total), jnp.float32),
        scratch_types=[
            pltpu.VMEM((N_SPARSE, bs), jnp.int32),
            pltpu.VMEM((rows, bs), jnp.float32),
            pltpu.SemaphoreType.DMA,
        ],
        compiler_params=pltpu.CompilerParams(use_tc_tiling_on_sc=False),
    )
    def gather(table_hbm, idx_hbm, out_hbm, idx_v, g_v, sem):
        wid = lax.axis_index("s") * 2 + lax.axis_index("c")
        b0 = wid * bs
        pltpu.sync_copy(idx_hbm.at[:, pl.ds(b0, bs)], idx_v)
        for c in range(N_SPARSE // FPC):

            def body(f, _):
                fg = c * FPC + f
                for e in range(EMB):
                    pltpu.async_copy(
                        table_hbm.at[fg * EMB + e].at[idx_v.at[fg]],
                        g_v.at[f * EMB + e], sem)
                @pl.when(f > 0)
                def _():
                    pltpu.make_async_copy(
                        table_hbm.at[pl.ds(0, EMB), pl.ds(0, bs)],
                        g_v.at[pl.ds(0, EMB)], sem).wait()
                return 0

            lax.fori_loop(0, FPC, body, 0)
            pltpu.make_async_copy(
                table_hbm.at[pl.ds(0, EMB), pl.ds(0, bs)],
                g_v.at[pl.ds(0, EMB)], sem).wait()
            pltpu.sync_copy(g_v, out_hbm.at[pl.ds(c * rows, rows),
                                            pl.ds(b0, bs)])

    return gather


def _dense_t_body(embt_ref, dent_ref, cw_ref, cb_ref, w1t_ref,
                  b1_ref, w2t_ref, b2_ref, w3t_ref, b3_ref, wft_ref, bf_ref,
                  out_ref):
    f32 = jnp.float32
    b16 = jnp.bfloat16
    xt = jnp.concatenate([embt_ref[...], dent_ref[...]],
                         axis=0)
    xt16 = xt.astype(b16)
    cw = cw_ref[...]
    xl = xt
    for i in range(LAYER_NUM):
        s = jnp.dot(cw[i:i + 1, :], xl.astype(b16),
                    preferred_element_type=f32)
        xl = (xt * s + cb_ref[i][:, None]) + xl
    ht16 = xt16
    for wt_ref, b_ref in ((w1t_ref, b1_ref), (w2t_ref, b2_ref),
                          (w3t_ref, b3_ref)):
        h = jnp.dot(wt_ref[...], ht16, preferred_element_type=f32)
        ht16 = jnp.maximum(h + b_ref[...], 0.0).astype(b16)
    cat = jnp.concatenate([xl.astype(b16), ht16], axis=0)
    t = jnp.dot(wft_ref[...], cat, preferred_element_type=f32) + bf_ref[...]
    out_ref[...] = jax.nn.sigmoid(t)


def _dense_t_forward(embt, dent, cw2, cb2, w1, b1, w2, b2, w3, b3,
                     wf, bf, blk: int):
    b16 = jnp.bfloat16
    b_total = embt.shape[1]
    h0, h1, h2 = w1.shape[1], w2.shape[1], w3.shape[1]
    full = lambda *shape: pl.BlockSpec(shape, lambda i: (0,) * len(shape))
    return pl.pallas_call(
        _dense_t_body,
        grid=(b_total // blk,),
        in_specs=[
            pl.BlockSpec((NF, blk), lambda i: (0, i)),
            pl.BlockSpec((N_DENSE, blk), lambda i: (0, i)),
            full(LAYER_NUM, DIM),
            full(LAYER_NUM, DIM),
            full(h0, DIM),
            full(h0, 1),
            full(h1, h0),
            full(h1, 1),
            full(h2, h1),
            full(h2, 1),
            full(1, DIM + h2),
            full(1, 1),
        ],
        out_specs=pl.BlockSpec((1, blk), lambda i: (0, i)),
        out_shape=jax.ShapeDtypeStruct((1, b_total), jnp.float32),
        compiler_params=pltpu.CompilerParams(
            dimension_semantics=("arbitrary",)),
    )(embt, dent, cw2.astype(b16), cb2,
      w1.astype(b16).T, b1.reshape(h0, 1),
      w2.astype(b16).T, b2.reshape(h1, 1),
      w3.astype(b16).T, b3.reshape(h2, 1),
      wf.astype(b16).T, bf.reshape(1, 1))


def kernel(inputs, E, cw, cb, W1, b1, W2, b2, W3, b3, Wf, bf):
    b_total = inputs.shape[0]
    int_ = jnp.swapaxes(inputs, 0, 1)
    dent = int_[N_SPARSE:]
    idxt = int_[:N_SPARSE].astype(jnp.int32)
    table = jnp.swapaxes(E, 1, 2).reshape(NF, VOCAB)
    embt = _make_gather_t(b_total)(table, idxt)
    outt = _dense_t_forward(embt, dent, cw[..., 0], cb[..., 0],
                            W1, b1, W2, b2, W3, b3, Wf, bf, blk=2048)
    return outt.reshape(b_total, 1)

# --- scband reference (transcript-rebuilt; emitter-appended) ---
"""Pipeline reference for scband-dcn-20976620273931 (READ-ONLY COPY).

The authoritative reference and input builder live on the scoring server;
editing this copy changes nothing except your own understanding.
"""

import jax, jax.numpy as jnp
import numpy as np

N_SPARSE = 26
N_DENSE = 13
VOCAB = 100000
EMB = 16
B = 16384
LAYER_NUM = 3
HID = [256, 128, 64]
DIM = N_SPARSE * EMB + N_DENSE  # 429


def setup_inputs(seed: int = 0) -> dict:
    key = jax.random.key(seed)
    ks = jax.random.split(key, 12)
    # single float input tensor: first 26 cols are sparse indices, last 13 are dense feats
    inputs = jax.random.randint(ks[0], (B, N_SPARSE + N_DENSE), 0, VOCAB).astype(jnp.float32)
    # stacked embedding tables, one per sparse field (random_uniform init)
    E = jax.random.uniform(ks[1], (N_SPARSE, VOCAB, EMB), minval=-0.05, maxval=0.05, dtype=jnp.float32)
    # cross network weights/bias (random_normal init)
    cw = jax.random.normal(ks[2], (LAYER_NUM, DIM, 1), dtype=jnp.float32) * 0.05
    cb = jax.random.normal(ks[3], (LAYER_NUM, DIM, 1), dtype=jnp.float32) * 0.05
    # DNN dense layers
    W1 = jax.random.normal(ks[4], (DIM, HID[0]), dtype=jnp.float32) * 0.02
    b1 = jnp.zeros((HID[0],), dtype=jnp.float32)
    W2 = jax.random.normal(ks[5], (HID[0], HID[1]), dtype=jnp.float32) * 0.02
    b2 = jnp.zeros((HID[1],), dtype=jnp.float32)
    W3 = jax.random.normal(ks[6], (HID[1], HID[2]), dtype=jnp.float32) * 0.02
    b3 = jnp.zeros((HID[2],), dtype=jnp.float32)
    # final dense
    Wf = jax.random.normal(ks[7], (DIM + HID[2], 1), dtype=jnp.float32) * 0.02
    bf = jnp.zeros((1,), dtype=jnp.float32)
    return {"inputs": inputs, "E": E, "cw": cw, "cb": cb,
            "W1": W1, "b1": b1, "W2": W2, "b2": b2, "W3": W3, "b3": b3,
            "Wf": Wf, "bf": bf}


def reference(inputs, E, cw, cb, W1, b1, W2, b2, W3, b3, Wf, bf):
    # embedding lookup per sparse field, then concat
    idx = inputs[:, :N_SPARSE].astype(jnp.int32)  # [B, 26]
    emb = E[jnp.arange(N_SPARSE)[None, :], idx]   # gather -> [B, 26, 16]
    sparse_embed = emb.reshape(inputs.shape[0], N_SPARSE * EMB)
    dense_inputs = inputs[:, N_SPARSE:]
    x = jnp.concatenate([sparse_embed, dense_inputs], axis=-1)  # [B, DIM]
    # cross network
    x0 = x[:, :, None]  # [B, DIM, 1]
    xl = x0
    for i in range(LAYER_NUM):
        xl_w = jnp.tensordot(xl, cw[i], axes=[[1], [0]])  # [B, 1, 1]
        xl = jnp.matmul(x0, xl_w) + cb[i] + xl
    cross_x = jnp.squeeze(xl, axis=2)  # [B, DIM]
    # DNN (dropout=0.0 -> identity)
    h = x
    for W, b in ((W1, b1), (W2, b2), (W3, b3)):
        h = jax.nn.relu(h @ W + b)
    total_x = jnp.concatenate([cross_x, h], axis=-1)
    out = jax.nn.sigmoid(total_x @ Wf + bf)  # [B, 1]
    return out

if __name__ == "__main__":
    import jax
    _d = setup_inputs()
    print(jax.jit(kernel)(*tuple(_d.values())))

</pallas_src>

<mosaic_0001>
#map = affine_map<(d0, d1) -> (0, 0)>
module attributes {stable_mosaic.version = 14 : i64} {
  func.func @gather(%arg0: i32, %arg1: i32, %arg2: memref<416x100000xf32, #tpu.memory_space<hbm>>, %arg3: memref<26x16384xi32, #tpu.memory_space<hbm>>, %arg4: memref<416x16384xf32, #tpu.memory_space<hbm>>, %arg5: memref<26x512xi32, #tpu.memory_space<vmem>>, %arg6: memref<208x512xf32, #tpu.memory_space<vmem>>, %arg7: memref<!tpu.dma_semaphore, #tpu.memory_space<semaphore_mem>>) attributes {dimension_semantics = [#tpu.dimension_semantics<core_parallel>, #tpu.dimension_semantics<subcore_parallel>], iteration_bounds = array<i64: 2, 16>, scalar_prefetch = 0 : i64, scratch_operands = 3 : i64, tpu.core_type = #tpu.core_type<sc_vector_subcore>, window_params = [{transform_indices = #map}, {transform_indices = #map}, {transform_indices = #map}]} {
    %mul3A = arith.constant 2 : i32
    %mul3A_0 = arith.muli %arg1, %mul3A : i32
    %add3A = arith.addi %mul3A_0, %arg0 : i32
    %mul3A_1 = arith.constant 512 : i32
    %mul3A_2 = arith.muli %add3A, %mul3A_1 : i32
    "tpu.region"() ({
      %run_scoped3A = tpu.sem_alloc : memref<!tpu.dma_semaphore, #tpu.memory_space<semaphore_mem>>
      %dma_start3A = arith.constant 0 : i32
      %dma_start3A_39 = tpu.memref_slice %arg3[%dma_start3A, %mul3A_2] : memref<26x16384xi32, #tpu.memory_space<hbm>> -> memref<26x512xi32, #tpu.memory_space<hbm>>
      %dma_start3A_40 = arith.constant 0 : i32
      %dma_start3A_41 = tpu.memref_slice %arg3[%dma_start3A_40, %mul3A_2] : memref<26x16384xi32, #tpu.memory_space<hbm>> -> memref<26x512xi32, #tpu.memory_space<hbm>>
      tpu.enqueue_dma source(%dma_start3A_41 : memref<26x512xi32, #tpu.memory_space<hbm>>) target(%arg5 : memref<26x512xi32, #tpu.memory_space<vmem>>) target_semaphore(%run_scoped3A : memref<!tpu.dma_semaphore, #tpu.memory_space<semaphore_mem>>)
      %dma_wait3A_42 = arith.constant 0 : i32
      %dma_wait3A_43 = tpu.memref_slice %arg3[%dma_wait3A_42, %mul3A_2] : memref<26x16384xi32, #tpu.memory_space<hbm>> -> memref<26x512xi32, #tpu.memory_space<hbm>>
      %dma_wait3A_44 = arith.constant 0 : i32
      %dma_wait3A_45 = tpu.memref_slice %arg3[%dma_wait3A_44, %mul3A_2] : memref<26x16384xi32, #tpu.memory_space<hbm>> -> memref<26x512xi32, #tpu.memory_space<hbm>>
      tpu.wait_dma2 semaphore(%run_scoped3A : memref<!tpu.dma_semaphore, #tpu.memory_space<semaphore_mem>>) src(%dma_wait3A_45 : memref<26x512xi32, #tpu.memory_space<hbm>>) dst(%arg5 : memref<26x512xi32, #tpu.memory_space<vmem>>)
      tpu.yield
    }) : () -> ()
    %scan3A = arith.constant 0 : i32
    %scan3A_3 = arith.constant 0 : i32
    %scan3A_4 = arith.constant 13 : i32
    %scan3A_5 = arith.addi %scan3A_3, %scan3A_4 : i32
    %scan3A_6 = arith.constant 1 : i32
    %scan3A_7 = scf.for %scan3A_39 = %scan3A_3 to %scan3A_5 step %scan3A_6 iter_args(%scan3A_40 = %scan3A) -> (i32)  : i32 {
      %add3A_41 = arith.constant 0 : i32
      %add3A_42 = arith.addi %add3A_41, %scan3A_39 : i32
      %mul3A_43 = arith.constant 16 : i32
      %mul3A_44 = arith.muli %add3A_42, %mul3A_43 : i32
      %add3A_45 = arith.constant 0 : i32
      %add3A_46 = arith.addi %mul3A_44, %add3A_45 : i32
      %mul3A_47 = arith.constant 16 : i32
      %mul3A_48 = arith.muli %scan3A_39, %mul3A_47 : i32
      %add3A_49 = arith.constant 0 : i32
      %add3A_50 = arith.addi %mul3A_48, %add3A_49 : i32
      %dma_start3A = arith.constant 0 : i32
      %dma_start3A_51 = tpu.memref_slice %arg6[%add3A_50, %dma_start3A] : memref<208x512xf32, #tpu.memory_space<vmem>> -> memref<1x512xf32, #tpu.memory_space<vmem>>
      %dma_start3A_52 = tpu.memref_squeeze %dma_start3A_51 : memref<1x512xf32, #tpu.memory_space<vmem>> -> memref<512xf32, #tpu.memory_space<vmem>>
      %dma_start3A_53 = arith.constant 0 : i32
      %dma_start3A_54 = tpu.memref_slice %arg5[%add3A_42, %dma_start3A_53] : memref<26x512xi32, #tpu.memory_space<vmem>> -> memref<1x512xi32, #tpu.memory_space<vmem>>
      %dma_start3A_55 = tpu.memref_squeeze %dma_start3A_54 : memref<1x512xi32, #tpu.memory_space<vmem>> -> memref<512xi32, #tpu.memory_space<vmem>>
      %dma_start3A_56 = arith.constant 0 : i32
      %dma_start3A_57 = tpu.memref_slice %arg2[%add3A_46, %dma_start3A_56] : memref<416x100000xf32, #tpu.memory_space<hbm>> -> memref<1x100000xf32, #tpu.memory_space<hbm>>
      %dma_start3A_58 = tpu.memref_squeeze %dma_start3A_57 : memref<1x100000xf32, #tpu.memory_space<hbm>> -> memref<100000xf32, #tpu.memory_space<hbm>>
      %dma_start3A_59 = arith.constant 0 : i32
      %dma_start3A_60 = tpu.memref_slice %dma_start3A_58[%dma_start3A_59] : memref<100000xf32, #tpu.memory_space<hbm>> -> memref<100000xf32, #tpu.memory_space<hbm>>
      tpu.enqueue_indirect_dma source(%dma_start3A_60 : memref<100000xf32, #tpu.memory_space<hbm>>) target(%dma_start3A_52 : memref<512xf32, #tpu.memory_space<vmem>>) offsets(%dma_start3A_55 : memref<512xi32, #tpu.memory_space<vmem>>) semaphore(%arg7 : memref<!tpu.dma_semaphore, #tpu.memory_space<semaphore_mem>>)
      %mul3A_61 = arith.constant 16 : i32
      %mul3A_62 = arith.muli %add3A_42, %mul3A_61 : i32
      %add3A_63 = arith.constant 1 : i32
      %add3A_64 = arith.addi %mul3A_62, %add3A_63 : i32
      %mul3A_65 = arith.constant 16 : i32
      %mul3A_66 = arith.muli %scan3A_39, %mul3A_65 : i32
      %add3A_67 = arith.constant 1 : i32
      %add3A_68 = arith.addi %mul3A_66, %add3A_67 : i32
      %dma_start3A_69 = arith.constant 0 : i32
      %dma_start3A_70 = tpu.memref_slice %arg6[%add3A_68, %dma_start3A_69] : memref<208x512xf32, #tpu.memory_space<vmem>> -> memref<1x512xf32, #tpu.memory_space<vmem>>
      %dma_start3A_71 = tpu.memref_squeeze %dma_start3A_70 : memref<1x512xf32, #tpu.memory_space<vmem>> -> memref<512xf32, #tpu.memory_space<vmem>>
      %dma_start3A_72 = arith.constant 0 : i32
      %dma_start3A_73 = tpu.memref_slice %arg5[%add3A_42, %dma_start3A_72] : memref<26x512xi32, #tpu.memory_space<vmem>> -> memref<1x512xi32, #tpu.memory_space<vmem>>
      %dma_start3A_74 = tpu.memref_squeeze %dma_start3A_73 : memref<1x512xi32, #tpu.memory_space<vmem>> -> memref<512xi32, #tpu.memory_space<vmem>>
      %dma_start3A_75 = arith.constant 0 : i32
      %dma_start3A_76 = tpu.memref_slice %arg2[%add3A_64, %dma_start3A_75] : memref<416x100000xf32, #tpu.memory_space<hbm>> -> memref<1x100000xf32, #tpu.memory_space<hbm>>
      %dma_start3A_77 = tpu.memref_squeeze %dma_start3A_76 : memref<1x100000xf32, #tpu.memory_space<hbm>> -> memref<100000xf32, #tpu.memory_space<hbm>>
      %dma_start3A_78 = arith.constant 0 : i32
      %dma_start3A_79 = tpu.memref_slice %dma_start3A_77[%dma_start3A_78] : memref<100000xf32, #tpu.memory_space<hbm>> -> memref<100000xf32, #tpu.memory_space<hbm>>
      tpu.enqueue_indirect_dma source(%dma_start3A_79 : memref<100000xf32, #tpu.memory_space<hbm>>) target(%dma_start3A_71 : memref<512xf32, #tpu.memory_space<vmem>>) offsets(%dma_start3A_74 : memref<512xi32, #tpu.memory_space<vmem>>) semaphore(%arg7 : memref<!tpu.dma_semaphore, #tpu.memory_space<semaphore_mem>>)
      %mul3A_80 = arith.constant 16 : i32
      %mul3A_81 = arith.muli %add3A_42, %mul3A_80 : i32
      %add3A_82 = arith.constant 2 : i32
      %add3A_83 = arith.addi %mul3A_81, %add3A_82 : i32
      %mul3A_84 = arith.constant 16 : i32
      %mul3A_85 = arith.muli %scan3A_39, %mul3A_84 : i32
      %add3A_86 = arith.constant 2 : i32
      %add3A_87 = arith.addi %mul3A_85, %add3A_86 : i32
      %dma_start3A_88 = arith.constant 0 : i32
      %dma_start3A_89 = tpu.memref_slice %arg6[%add3A_87, %dma_start3A_88] : memref<208x512xf32, #tpu.memory_space<vmem>> -> memref<1x512xf32, #tpu.memory_space<vmem>>
      %dma_start3A_90 = tpu.memref_squeeze %dma_start3A_89 : memref<1x512xf32, #tpu.memory_space<vmem>> -> memref<512xf32, #tpu.memory_space<vmem>>
      %dma_start3A_91 = arith.constant 0 : i32
      %dma_start3A_92 = tpu.memref_slice %arg5[%add3A_42, %dma_start3A_91] : memref<26x512xi32, #tpu.memory_space<vmem>> -> memref<1x512xi32, #tpu.memory_space<vmem>>
      %dma_start3A_93 = tpu.memref_squeeze %dma_start3A_92 : memref<1x512xi32, #tpu.memory_space<vmem>> -> memref<512xi32, #tpu.memory_space<vmem>>
      %dma_start3A_94 = arith.constant 0 : i32
      %dma_start3A_95 = tpu.memref_slice %arg2[%add3A_83, %dma_start3A_94] : memref<416x100000xf32, #tpu.memory_space<hbm>> -> memref<1x100000xf32, #tpu.memory_space<hbm>>
      %dma_start3A_96 = tpu.memref_squeeze %dma_start3A_95 : memref<1x100000xf32, #tpu.memory_space<hbm>> -> memref<100000xf32, #tpu.memory_space<hbm>>
      %dma_start3A_97 = arith.constant 0 : i32
      %dma_start3A_98 = tpu.memref_slice %dma_start3A_96[%dma_start3A_97] : memref<100000xf32, #tpu.memory_space<hbm>> -> memref<100000xf32, #tpu.memory_space<hbm>>
      tpu.enqueue_indirect_dma source(%dma_start3A_98 : memref<100000xf32, #tpu.memory_space<hbm>>) target(%dma_start3A_90 : memref<512xf32, #tpu.memory_space<vmem>>) offsets(%dma_start3A_93 : memref<512xi32, #tpu.memory_space<vmem>>) semaphore(%arg7 : memref<!tpu.dma_semaphore, #tpu.memory_space<semaphore_mem>>)
      %mul3A_99 = arith.constant 16 : i32
      %mul3A_100 = arith.muli %add3A_42, %mul3A_99 : i32
      %add3A_101 = arith.constant 3 : i32
      %add3A_102 = arith.addi %mul3A_100, %add3A_101 : i32
      %mul3A_103 = arith.constant 16 : i32
      %mul3A_104 = arith.muli %scan3A_39, %mul3A_103 : i32
      %add3A_105 = arith.constant 3 : i32
      %add3A_106 = arith.addi %mul3A_104, %add3A_105 : i32
      %dma_start3A_107 = arith.constant 0 : i32
      %dma_start3A_108 = tpu.memref_slice %arg6[%add3A_106, %dma_start3A_107] : memref<208x512xf32, #tpu.memory_space<vmem>> -> memref<1x512xf32, #tpu.memory_space<vmem>>
      %dma_start3A_109 = tpu.memref_squeeze %dma_start3A_108 : memref<1x512xf32, #tpu.memory_space<vmem>> -> memref<512xf32, #tpu.memory_space<vmem>>
      %dma_start3A_110 = arith.constant 0 : i32
      %dma_start3A_111 = tpu.memref_slice %arg5[%add3A_42, %dma_start3A_110] : memref<26x512xi32, #tpu.memory_space<vmem>> -> memref<1x512xi32, #tpu.memory_space<vmem>>
      %dma_start3A_112 = tpu.memref_squeeze %dma_start3A_111 : memref<1x512xi32, #tpu.memory_space<vmem>> -> memref<512xi32, #tpu.memory_space<vmem>>
      %dma_start3A_113 = arith.constant 0 : i32
      %dma_start3A_114 = tpu.memref_slice %arg2[%add3A_102, %dma_start3A_113] : memref<416x100000xf32, #tpu.memory_space<hbm>> -> memref<1x100000xf32, #tpu.memory_space<hbm>>
      %dma_start3A_115 = tpu.memref_squeeze %dma_start3A_114 : memref<1x100000xf32, #tpu.memory_space<hbm>> -> memref<100000xf32, #tpu.memory_space<hbm>>
      %dma_start3A_116 = arith.constant 0 : i32
      %dma_start3A_117 = tpu.memref_slice %dma_start3A_115[%dma_start3A_116] : memref<100000xf32, #tpu.memory_space<hbm>> -> memref<100000xf32, #tpu.memory_space<hbm>>
      tpu.enqueue_indirect_dma source(%dma_start3A_117 : memref<100000xf32, #tpu.memory_space<hbm>>) target(%dma_start3A_109 : memref<512xf32, #tpu.memory_space<vmem>>) offsets(%dma_start3A_112 : memref<512xi32, #tpu.memory_space<vmem>>) semaphore(%arg7 : memref<!tpu.dma_semaphore, #tpu.memory_space<semaphore_mem>>)
      %mul3A_118 = arith.constant 16 : i32
      %mul3A_119 = arith.muli %add3A_42, %mul3A_118 : i32
      %add3A_120 = arith.constant 4 : i32
      %add3A_121 = arith.addi %mul3A_119, %add3A_120 : i32
      %mul3A_122 = arith.constant 16 : i32
      %mul3A_123 = arith.muli %scan3A_39, %mul3A_122 : i32
      %add3A_124 = arith.constant 4 : i32
      %add3A_125 = arith.addi %mul3A_123, %add3A_124 : i32
      %dma_start3A_126 = arith.constant 0 : i32
      %dma_start3A_127 = tpu.memref_slice %arg6[%add3A_125, %dma_start3A_126] : memref<208x512xf32, #tpu.memory_space<vmem>> -> memref<1x512xf32, #tpu.memory_space<vmem>>
      %dma_start3A_128 = tpu.memref_squeeze %dma_start3A_127 : memref<1x512xf32, #tpu.memory_space<vmem>> -> memref<512xf32, #tpu.memory_space<vmem>>
      %dma_start3A_129 = arith.constant 0 : i32
      %dma_start3A_130 = tpu.memref_slice %arg5[%add3A_42, %dma_start3A_129] : memref<26x512xi32, #tpu.memory_space<vmem>> -> memref<1x512xi32, #tpu.memory_space<vmem>>
      %dma_start3A_131 = tpu.memref_squeeze %dma_start3A_130 : memref<1x512xi32, #tpu.memory_space<vmem>> -> memref<512xi32, #tpu.memory_space<vmem>>
      %dma_start3A_132 = arith.constant 0 : i32
      %dma_start3A_133 = tpu.memref_slice %arg2[%add3A_121, %dma_start3A_132] : memref<416x100000xf32, #tpu.memory_space<hbm>> -> memref<1x100000xf32, #tpu.memory_space<hbm>>
      %dma_start3A_134 = tpu.memref_squeeze %dma_start3A_133 : memref<1x100000xf32, #tpu.memory_space<hbm>> -> memref<100000xf32, #tpu.memory_space<hbm>>
      %dma_start3A_135 = arith.constant 0 : i32
      %dma_start3A_136 = tpu.memref_slice %dma_start3A_134[%dma_start3A_135] : memref<100000xf32, #tpu.memory_space<hbm>> -> memref<100000xf32, #tpu.memory_space<hbm>>
      tpu.enqueue_indirect_dma source(%dma_start3A_136 : memref<100000xf32, #tpu.memory_space<hbm>>) target(%dma_start3A_128 : memref<512xf32, #tpu.memory_space<vmem>>) offsets(%dma_start3A_131 : memref<512xi32, #tpu.memory_space<vmem>>) semaphore(%arg7 : memref<!tpu.dma_semaphore, #tpu.memory_space<semaphore_mem>>)
      %mul3A_137 = arith.constant 16 : i32
      %mul3A_138 = arith.muli %add3A_42, %mul3A_137 : i32
      %add3A_139 = arith.constant 5 : i32
      %add3A_140 = arith.addi %mul3A_138, %add3A_139 : i32
      %mul3A_141 = arith.constant 16 : i32
      %mul3A_142 = arith.muli %scan3A_39, %mul3A_141 : i32
      %add3A_143 = arith.constant 5 : i32
      %add3A_144 = arith.addi %mul3A_142, %add3A_143 : i32
      %dma_start3A_145 = arith.constant 0 : i32
      %dma_start3A_146 = tpu.memref_slice %arg6[%add3A_144, %dma_start3A_145] : memref<208x512xf32, #tpu.memory_space<vmem>> -> memref<1x512xf32, #tpu.memory_space<vmem>>
      %dma_start3A_147 = tpu.memref_squeeze %dma_start3A_146 : memref<1x512xf32, #tpu.memory_space<vmem>> -> memref<512xf32, #tpu.memory_space<vmem>>
      %dma_start3A_148 = arith.constant 0 : i32
      %dma_start3A_149 = tpu.memref_slice %arg5[%add3A_42, %dma_start3A_148] : memref<26x512xi32, #tpu.memory_space<vmem>> -> memref<1x512xi32, #tpu.memory_space<vmem>>
      %dma_start3A_150 = tpu.memref_squeeze %dma_start3A_149 : memref<1x512xi32, #tpu.memory_space<vmem>> -> memref<512xi32, #tpu.memory_space<vmem>>
      %dma_start3A_151 = arith.constant 0 : i32
      %dma_start3A_152 = tpu.memref_slice %arg2[%add3A_140, %dma_start3A_151] : memref<416x100000xf32, #tpu.memory_space<hbm>> -> memref<1x100000xf32, #tpu.memory_space<hbm>>
      %dma_start3A_153 = tpu.memref_squeeze %dma_start3A_152 : memref<1x100000xf32, #tpu.memory_space<hbm>> -> memref<100000xf32, #tpu.memory_space<hbm>>
      %dma_start3A_154 = arith.constant 0 : i32
      %dma_start3A_155 = tpu.memref_slice %dma_start3A_153[%dma_start3A_154] : memref<100000xf32, #tpu.memory_space<hbm>> -> memref<100000xf32, #tpu.memory_space<hbm>>
      tpu.enqueue_indirect_dma source(%dma_start3A_155 : memref<100000xf32, #tpu.memory_space<hbm>>) target(%dma_start3A_147 : memref<512xf32, #tpu.memory_space<vmem>>) offsets(%dma_start3A_150 : memref<512xi32, #tpu.memory_space<vmem>>) semaphore(%arg7 : memref<!tpu.dma_semaphore, #tpu.memory_space<semaphore_mem>>)
      %mul3A_156 = arith.constant 16 : i32
      %mul3A_157 = arith.muli %add3A_42, %mul3A_156 : i32
      %add3A_158 = arith.constant 6 : i32
      %add3A_159 = arith.addi %mul3A_157, %add3A_158 : i32
      %mul3A_160 = arith.constant 16 : i32
      %mul3A_161 = arith.muli %scan3A_39, %mul3A_160 : i32
      %add3A_162 = arith.constant 6 : i32
      %add3A_163 = arith.addi %mul3A_161, %add3A_162 : i32
      %dma_start3A_164 = arith.constant 0 : i32
      %dma_start3A_165 = tpu.memref_slice %arg6[%add3A_163, %dma_start3A_164] : memref<208x512xf32, #tpu.memory_space<vmem>> -> memref<1x512xf32, #tpu.memory_space<vmem>>
      %dma_start3A_166 = tpu.memref_squeeze %dma_start3A_165 : memref<1x512xf32, #tpu.memory_space<vmem>> -> memref<512xf32, #tpu.memory_space<vmem>>
      %dma_start3A_167 = arith.constant 0 : i32
      %dma_start3A_168 = tpu.memref_slice %arg5[%add3A_42, %dma_start3A_167] : memref<26x512xi32, #tpu.memory_space<vmem>> -> memref<1x512xi32, #tpu.memory_space<vmem>>
      %dma_start3A_169 = tpu.memref_squeeze %dma_start3A_168 : memref<1x512xi32, #tpu.memory_space<vmem>> -> memref<512xi32, #tpu.memory_space<vmem>>
      %dma_start3A_170 = arith.constant 0 : i32
      %dma_start3A_171 = tpu.memref_slice %arg2[%add3A_159, %dma_start3A_170] : memref<416x100000xf32, #tpu.memory_space<hbm>> -> memref<1x100000xf32, #tpu.memory_space<hbm>>
      %dma_start3A_172 = tpu.memref_squeeze %dma_start3A_171 : memref<1x100000xf32, #tpu.memory_space<hbm>> -> memref<100000xf32, #tpu.memory_space<hbm>>
      %dma_start3A_173 = arith.constant 0 : i32
      %dma_start3A_174 = tpu.memref_slice %dma_start3A_172[%dma_start3A_173] : memref<100000xf32, #tpu.memory_space<hbm>> -> memref<100000xf32, #tpu.memory_space<hbm>>
      tpu.enqueue_indirect_dma source(%dma_start3A_174 : memref<100000xf32, #tpu.memory_space<hbm>>) target(%dma_start3A_166 : memref<512xf32, #tpu.memory_space<vmem>>) offsets(%dma_start3A_169 : memref<512xi32, #tpu.memory_space<vmem>>) semaphore(%arg7 : memref<!tpu.dma_semaphore, #tpu.memory_space<semaphore_mem>>)
      %mul3A_175 = arith.constant 16 : i32
      %mul3A_176 = arith.muli %add3A_42, %mul3A_175 : i32
      %add3A_177 = arith.constant 7 : i32
      %add3A_178 = arith.addi %mul3A_176, %add3A_177 : i32
      %mul3A_179 = arith.constant 16 : i32
      %mul3A_180 = arith.muli %scan3A_39, %mul3A_179 : i32
      %add3A_181 = arith.constant 7 : i32
      %add3A_182 = arith.addi %mul3A_180, %add3A_181 : i32
      %dma_start3A_183 = arith.constant 0 : i32
      %dma_start3A_184 = tpu.memref_slice %arg6[%add3A_182, %dma_start3A_183] : memref<208x512xf32, #tpu.memory_space<vmem>> -> memref<1x512xf32, #tpu.memory_space<vmem>>
      %dma_start3A_185 = tpu.memref_squeeze %dma_start3A_184 : memref<1x512xf32, #tpu.memory_space<vmem>> -> memref<512xf32, #tpu.memory_space<vmem>>
      %dma_start3A_186 = arith.constant 0 : i32
      %dma_start3A_187 = tpu.memref_slice %arg5[%add3A_42, %dma_start3A_186] : memref<26x512xi32, #tpu.memory_space<vmem>> -> memref<1x512xi32, #tpu.memory_space<vmem>>
      %dma_start3A_188 = tpu.memref_squeeze %dma_start3A_187 : memref<1x512xi32, #tpu.memory_space<vmem>> -> memref<512xi32, #tpu.memory_space<vmem>>
      %dma_start3A_189 = arith.constant 0 : i32
      %dma_start3A_190 = tpu.memref_slice %arg2[%add3A_178, %dma_start3A_189] : memref<416x100000xf32, #tpu.memory_space<hbm>> -> memref<1x100000xf32, #tpu.memory_space<hbm>>
      %dma_start3A_191 = tpu.memref_squeeze %dma_start3A_190 : memref<1x100000xf32, #tpu.memory_space<hbm>> -> memref<100000xf32, #tpu.memory_space<hbm>>
      %dma_start3A_192 = arith.constant 0 : i32
      %dma_start3A_193 = tpu.memref_slice %dma_start3A_191[%dma_start3A_192] : memref<100000xf32, #tpu.memory_space<hbm>> -> memref<100000xf32, #tpu.memory_space<hbm>>
      tpu.enqueue_indirect_dma source(%dma_start3A_193 : memref<100000xf32, #tpu.memory_space<hbm>>) target(%dma_start3A_185 : memref<512xf32, #tpu.memory_space<vmem>>) offsets(%dma_start3A_188 : memref<512xi32, #tpu.memory_space<vmem>>) semaphore(%arg7 : memref<!tpu.dma_semaphore, #tpu.memory_space<semaphore_mem>>)
      %mul3A_194 = arith.constant 16 : i32
      %mul3A_195 = arith.muli %add3A_42, %mul3A_194 : i32
      %add3A_196 = arith.constant 8 : i32
      %add3A_197 = arith.addi %mul3A_195, %add3A_196 : i32
      %mul3A_198 = arith.constant 16 : i32
      %mul3A_199 = arith.muli %scan3A_39, %mul3A_198 : i32
      %add3A_200 = arith.constant 8 : i32
      %add3A_201 = arith.addi %mul3A_199, %add3A_200 : i32
      %dma_start3A_202 = arith.constant 0 : i32
      %dma_start3A_203 = tpu.memref_slice %arg6[%add3A_201, %dma_start3A_202] : memref<208x512xf32, #tpu.memory_space<vmem>> -> memref<1x512xf32, #tpu.memory_space<vmem>>
      %dma_start3A_204 = tpu.memref_squeeze %dma_start3A_203 : memref<1x512xf32, #tpu.memory_space<vmem>> -> memref<512xf32, #tpu.memory_space<vmem>>
      %dma_start3A_205 = arith.constant 0 : i32
      %dma_start3A_206 = tpu.memref_slice %arg5[%add3A_42, %dma_start3A_205] : memref<26x512xi32, #tpu.memory_space<vmem>> -> memref<1x512xi32, #tpu.memory_space<vmem>>
      %dma_start3A_207 = tpu.memref_squeeze %dma_start3A_206 : memref<1x512xi32, #tpu.memory_space<vmem>> -> memref<512xi32, #tpu.memory_space<vmem>>
      %dma_start3A_208 = arith.constant 0 : i32
      %dma_start3A_209 = tpu.memref_slice %arg2[%add3A_197, %dma_start3A_208] : memref<416x100000xf32, #tpu.memory_space<hbm>> -> memref<1x100000xf32, #tpu.memory_space<hbm>>
      %dma_start3A_210 = tpu.memref_squeeze %dma_start3A_209 : memref<1x100000xf32, #tpu.memory_space<hbm>> -> memref<100000xf32, #tpu.memory_space<hbm>>
      %dma_start3A_211 = arith.constant 0 : i32
      %dma_start3A_212 = tpu.memref_slice %dma_start3A_210[%dma_start3A_211] : memref<100000xf32, #tpu.memory_space<hbm>> -> memref<100000xf32, #tpu.memory_space<hbm>>
      tpu.enqueue_indirect_dma source(%dma_start3A_212 : memref<100000xf32, #tpu.memory_space<hbm>>) target(%dma_start3A_204 : memref<512xf32, #tpu.memory_space<vmem>>) offsets(%dma_start3A_207 : memref<512xi32, #tpu.memory_space<vmem>>) semaphore(%arg7 : memref<!tpu.dma_semaphore, #tpu.memory_space<semaphore_mem>>)
      %mul3A_213 = arith.constant 16 : i32
      %mul3A_214 = arith.muli %add3A_42, %mul3A_213 : i32
      %add3A_215 = arith.constant 9 : i32
      %add3A_216 = arith.addi %mul3A_214, %add3A_215 : i32
      %mul3A_217 = arith.constant 16 : i32
      %mul3A_218 = arith.muli %scan3A_39, %mul3A_217 : i32
      %add3A_219 = arith.constant 9 : i32
      %add3A_220 = arith.addi %mul3A_218, %add3A_219 : i32
      %dma_start3A_221 = arith.constant 0 : i32
      %dma_start3A_222 = tpu.memref_slice %arg6[%add3A_220, %dma_start3A_221] : memref<208x512xf32, #tpu.memory_space<vmem>> -> memref<1x512xf32, #tpu.memory_space<vmem>>
      %dma_start3A_223 = tpu.memref_squeeze %dma_start3A_222 : memref<1x512xf32, #tpu.memory_space<vmem>> -> memref<512xf32, #tpu.memory_space<vmem>>
      %dma_start3A_224 = arith.constant 0 : i32
      %dma_start3A_225 = tpu.memref_slice %arg5[%add3A_42, %dma_start3A_224] : memref<26x512xi32, #tpu.memory_space<vmem>> -> memref<1x512xi32, #tpu.memory_space<vmem>>
      %dma_start3A_226 = tpu.memref_squeeze %dma_start3A_225 : memref<1x512xi32, #tpu.memory_space<vmem>> -> memref<512xi32, #tpu.memory_space<vmem>>
      %dma_start3A_227 = arith.constant 0 : i32
      %dma_start3A_228 = tpu.memref_slice %arg2[%add3A_216, %dma_start3A_227] : memref<416x100000xf32, #tpu.memory_space<hbm>> -> memref<1x100000xf32, #tpu.memory_space<hbm>>
      %dma_start3A_229 = tpu.memref_squeeze %dma_start3A_228 : memref<1x100000xf32, #tpu.memory_space<hbm>> -> memref<100000xf32, #tpu.memory_space<hbm>>
      %dma_start3A_230 = arith.constant 0 : i32
      %dma_start3A_231 = tpu.memref_slice %dma_start3A_229[%dma_start3A_230] : memref<100000xf32, #tpu.memory_space<hbm>> -> memref<100000xf32, #tpu.memory_space<hbm>>
      tpu.enqueue_indirect_dma source(%dma_start3A_231 : memref<100000xf32, #tpu.memory_space<hbm>>) target(%dma_start3A_223 : memref<512xf32, #tpu.memory_space<vmem>>) offsets(%dma_start3A_226 : memref<512xi32, #tpu.memory_space<vmem>>) semaphore(%arg7 : memref<!tpu.dma_semaphore, #tpu.memory_space<semaphore_mem>>)
      %mul3A_232 = arith.constant 16 : i32
      %mul3A_233 = arith.muli %add3A_42, %mul3A_232 : i32
      %add3A_234 = arith.constant 10 : i32
      %add3A_235 = arith.addi %mul3A_233, %add3A_234 : i32
      %mul3A_236 = arith.constant 16 : i32
      %mul3A_237 = arith.muli %scan3A_39, %mul3A_236 : i32
      %add3A_238 = arith.constant 10 : i32
      %add3A_239 = arith.addi %mul3A_237, %add3A_238 : i32
      %dma_start3A_240 = arith.constant 0 : i32
      %dma_start3A_241 = tpu.memref_slice %arg6[%add3A_239, %dma_start3A_240] : memref<208x512xf32, #tpu.memory_space<vmem>> -> memref<1x512xf32, #tpu.memory_space<vmem>>
      %dma_start3A_242 = tpu.memref_squeeze %dma_start3A_241 : memref<1x512xf32, #tpu.memory_space<vmem>> -> memref<512xf32, #tpu.memory_space<vmem>>
      %dma_start3A_243 = arith.constant 0 : i32
      %dma_start3A_244 = tpu.memref_slice %arg5[%add3A_42, %dma_start3A_243] : memref<26x512xi32, #tpu.memory_space<vmem>> -> memref<1x512xi32, #tpu.memory_space<vmem>>
      %dma_start3A_245 = tpu.memref_squeeze %dma_start3A_244 : memref<1x512xi32, #tpu.memory_space<vmem>> -> memref<512xi32, #tpu.memory_space<vmem>>
      %dma_start3A_246 = arith.constant 0 : i32
      %dma_start3A_247 = tpu.memref_slice %arg2[%add3A_235, %dma_start3A_246] : memref<416x100000xf32, #tpu.memory_space<hbm>> -> memref<1x100000xf32, #tpu.memory_space<hbm>>
      %dma_start3A_248 = tpu.memref_squeeze %dma_start3A_247 : memref<1x100000xf32, #tpu.memory_space<hbm>> -> memref<100000xf32, #tpu.memory_space<hbm>>
      %dma_start3A_249 = arith.constant 0 : i32
      %dma_start3A_250 = tpu.memref_slice %dma_start3A_248[%dma_start3A_249] : memref<100000xf32, #tpu.memory_space<hbm>> -> memref<100000xf32, #tpu.memory_space<hbm>>
      tpu.enqueue_indirect_dma source(%dma_start3A_250 : memref<100000xf32, #tpu.memory_space<hbm>>) target(%dma_start3A_242 : memref<512xf32, #tpu.memory_space<vmem>>) offsets(%dma_start3A_245 : memref<512xi32, #tpu.memory_space<vmem>>) semaphore(%arg7 : memref<!tpu.dma_semaphore, #tpu.memory_space<semaphore_mem>>)
      %mul3A_251 = arith.constant 16 : i32
      %mul3A_252 = arith.muli %add3A_42, %mul3A_251 : i32
      %add3A_253 = arith.constant 11 : i32
      %add3A_254 = arith.addi %mul3A_252, %add3A_253 : i32
      %mul3A_255 = arith.constant 16 : i32
      %mul3A_256 = arith.muli %scan3A_39, %mul3A_255 : i32
      %add3A_257 = arith.constant 11 : i32
      %add3A_258 = arith.addi %mul3A_256, %add3A_257 : i32
      %dma_start3A_259 = arith.constant 0 : i32
      %dma_start3A_260 = tpu.memref_slice %arg6[%add3A_258, %dma_start3A_259] : memref<208x512xf32, #tpu.memory_space<vmem>> -> memref<1x512xf32, #tpu.memory_space<vmem>>
      %dma_start3A_261 = tpu.memref_squeeze %dma_start3A_260 : memref<1x512xf32, #tpu.memory_space<vmem>> -> memref<512xf32, #tpu.memory_space<vmem>>
      %dma_start3A_262 = arith.constant 0 : i32
      %dma_start3A_263 = tpu.memref_slice %arg5[%add3A_42, %dma_start3A_262] : memref<26x512xi32, #tpu.memory_space<vmem>> -> memref<1x512xi32, #tpu.memory_space<vmem>>
      %dma_start3A_264 = tpu.memref_squeeze %dma_start3A_263 : memref<1x512xi32, #tpu.memory_space<vmem>> -> memref<512xi32, #tpu.memory_space<vmem>>
      %dma_start3A_265 = arith.constant 0 : i32
      %dma_start3A_266 = tpu.memref_slice %arg2[%add3A_254, %dma_start3A_265] : memref<416x100000xf32, #tpu.memory_space<hbm>> -> memref<1x100000xf32, #tpu.memory_space<hbm>>
      %dma_start3A_267 = tpu.memref_squeeze %dma_start3A_266 : memref<1x100000xf32, #tpu.memory_space<hbm>> -> memref<100000xf32, #tpu.memory_space<hbm>>
      %dma_start3A_268 = arith.constant 0 : i32
      %dma_start3A_269 = tpu.memref_slice %dma_start3A_267[%dma_start3A_268] : memref<100000xf32, #tpu.memory_space<hbm>> -> memref<100000xf32, #tpu.memory_space<hbm>>
      tpu.enqueue_indirect_dma source(%dma_start3A_269 : memref<100000xf32, #tpu.memory_space<hbm>>) target(%dma_start3A_261 : memref<512xf32, #tpu.memory_space<vmem>>) offsets(%dma_start3A_264 : memref<512xi32, #tpu.memory_space<vmem>>) semaphore(%arg7 : memref<!tpu.dma_semaphore, #tpu.memory_space<semaphore_mem>>)
      %mul3A_270 = arith.constant 16 : i32
      %mul3A_271 = arith.muli %add3A_42, %mul3A_270 : i32
      %add3A_272 = arith.constant 12 : i32
      %add3A_273 = arith.addi %mul3A_271, %add3A_272 : i32
      %mul3A_274 = arith.constant 16 : i32
      %mul3A_275 = arith.muli %scan3A_39, %mul3A_274 : i32
      %add3A_276 = arith.constant 12 : i32
      %add3A_277 = arith.addi %mul3A_275, %add3A_276 : i32
      %dma_start3A_278 = arith.constant 0 : i32
      %dma_start3A_279 = tpu.memref_slice %arg6[%add3A_277, %dma_start3A_278] : memref<208x512xf32, #tpu.memory_space<vmem>> -> memref<1x512xf32, #tpu.memory_space<vmem>>
      %dma_start3A_280 = tpu.memref_squeeze %dma_start3A_279 : memref<1x512xf32, #tpu.memory_space<vmem>> -> memref<512xf32, #tpu.memory_space<vmem>>
      %dma_start3A_281 = arith.constant 0 : i32
      %dma_start3A_282 = tpu.memref_slice %arg5[%add3A_42, %dma_start3A_281] : memref<26x512xi32, #tpu.memory_space<vmem>> -> memref<1x512xi32, #tpu.memory_space<vmem>>
      %dma_start3A_283 = tpu.memref_squeeze %dma_start3A_282 : memref<1x512xi32, #tpu.memory_space<vmem>> -> memref<512xi32, #tpu.memory_space<vmem>>
      %dma_start3A_284 = arith.constant 0 : i32
      %dma_start3A_285 = tpu.memref_slice %arg2[%add3A_273, %dma_start3A_284] : memref<416x100000xf32, #tpu.memory_space<hbm>> -> memref<1x100000xf32, #tpu.memory_space<hbm>>
      %dma_start3A_286 = tpu.memref_squeeze %dma_start3A_285 : memref<1x100000xf32, #tpu.memory_space<hbm>> -> memref<100000xf32, #tpu.memory_space<hbm>>
      %dma_start3A_287 = arith.constant 0 : i32
      %dma_start3A_288 = tpu.memref_slice %dma_start3A_286[%dma_start3A_287] : memref<100000xf32, #tpu.memory_space<hbm>> -> memref<100000xf32, #tpu.memory_space<hbm>>
      tpu.enqueue_indirect_dma source(%dma_start3A_288 : memref<100000xf32, #tpu.memory_space<hbm>>) target(%dma_start3A_280 : memref<512xf32, #tpu.memory_space<vmem>>) offsets(%dma_start3A_283 : memref<512xi32, #tpu.memory_space<vmem>>) semaphore(%arg7 : memref<!tpu.dma_semaphore, #tpu.memory_space<semaphore_mem>>)
      %mul3A_289 = arith.constant 16 : i32
      %mul3A_290 = arith.muli %add3A_42, %mul3A_289 : i32
      %add3A_291 = arith.constant 13 : i32
      %add3A_292 = arith.addi %mul3A_290, %add3A_291 : i32
      %mul3A_293 = arith.constant 16 : i32
      %mul3A_294 = arith.muli %scan3A_39, %mul3A_293 : i32
      %add3A_295 = arith.constant 13 : i32
      %add3A_296 = arith.addi %mul3A_294, %add3A_295 : i32
      %dma_start3A_297 = arith.constant 0 : i32
      %dma_start3A_298 = tpu.memref_slice %arg6[%add3A_296, %dma_start3A_297] : memref<208x512xf32, #tpu.memory_space<vmem>> -> memref<1x512xf32, #tpu.memory_space<vmem>>
      %dma_start3A_299 = tpu.memref_squeeze %dma_start3A_298 : memref<1x512xf32, #tpu.memory_space<vmem>> -> memref<512xf32, #tpu.memory_space<vmem>>
      %dma_start3A_300 = arith.constant 0 : i32
      %dma_start3A_301 = tpu.memref_slice %arg5[%add3A_42, %dma_start3A_300] : memref<26x512xi32, #tpu.memory_space<vmem>> -> memref<1x512xi32, #tpu.memory_space<vmem>>
      %dma_start3A_302 = tpu.memref_squeeze %dma_start3A_301 : memref<1x512xi32, #tpu.memory_space<vmem>> -> memref<512xi32, #tpu.memory_space<vmem>>
      %dma_start3A_303 = arith.constant 0 : i32
      %dma_start3A_304 = tpu.memref_slice %arg2[%add3A_292, %dma_start3A_303] : memref<416x100000xf32, #tpu.memory_space<hbm>> -> memref<1x100000xf32, #tpu.memory_space<hbm>>
      %dma_start3A_305 = tpu.memref_squeeze %dma_start3A_304 : memref<1x100000xf32, #tpu.memory_space<hbm>> -> memref<100000xf32, #tpu.memory_space<hbm>>
      %dma_start3A_306 = arith.constant 0 : i32
      %dma_start3A_307 = tpu.memref_slice %dma_start3A_305[%dma_start3A_306] : memref<100000xf32, #tpu.memory_space<hbm>> -> memref<100000xf32, #tpu.memory_space<hbm>>
      tpu.enqueue_indirect_dma source(%dma_start3A_307 : memref<100000xf32, #tpu.memory_space<hbm>>) target(%dma_start3A_299 : memref<512xf32, #tpu.memory_space<vmem>>) offsets(%dma_start3A_302 : memref<512xi32, #tpu.memory_space<vmem>>) semaphore(%arg7 : memref<!tpu.dma_semaphore, #tpu.memory_space<semaphore_mem>>)
      %mul3A_308 = arith.constant 16 : i32
      %mul3A_309 = arith.muli %add3A_42, %mul3A_308 : i32
      %add3A_310 = arith.constant 14 : i32
      %add3A_311 = arith.addi %mul3A_309, %add3A_310 : i32
      %mul3A_312 = arith.constant 16 : i32
      %mul3A_313 = arith.muli %scan3A_39, %mul3A_312 : i32
      %add3A_314 = arith.constant 14 : i32
      %add3A_315 = arith.addi %mul3A_313, %add3A_314 : i32
      %dma_start3A_316 = arith.constant 0 : i32
      %dma_start3A_317 = tpu.memref_slice %arg6[%add3A_315, %dma_start3A_316] : memref<208x512xf32, #tpu.memory_space<vmem>> -> memref<1x512xf32, #tpu.memory_space<vmem>>
      %dma_start3A_318 = tpu.memref_squeeze %dma_start3A_317 : memref<1x512xf32, #tpu.memory_space<vmem>> -> memref<512xf32, #tpu.memory_space<vmem>>
      %dma_start3A_319 = arith.constant 0 : i32
      %dma_start3A_320 = tpu.memref_slice %arg5[%add3A_42, %dma_start3A_319] : memref<26x512xi32, #tpu.memory_space<vmem>> -> memref<1x512xi32, #tpu.memory_space<vmem>>
      %dma_start3A_321 = tpu.memref_squeeze %dma_start3A_320 : memref<1x512xi32, #tpu.memory_space<vmem>> -> memref<512xi32, #tpu.memory_space<vmem>>
      %dma_start3A_322 = arith.constant 0 : i32
      %dma_start3A_323 = tpu.memref_slice %arg2[%add3A_311, %dma_start3A_322] : memref<416x100000xf32, #tpu.memory_space<hbm>> -> memref<1x100000xf32, #tpu.memory_space<hbm>>
      %dma_start3A_324 = tpu.memref_squeeze %dma_start3A_323 : memref<1x100000xf32, #tpu.memory_space<hbm>> -> memref<100000xf32, #tpu.memory_space<hbm>>
      %dma_start3A_325 = arith.constant 0 : i32
      %dma_start3A_326 = tpu.memref_slice %dma_start3A_324[%dma_start3A_325] : memref<100000xf32, #tpu.memory_space<hbm>> -> memref<100000xf32, #tpu.memory_space<hbm>>
      tpu.enqueue_indirect_dma source(%dma_start3A_326 : memref<100000xf32, #tpu.memory_space<hbm>>) target(%dma_start3A_318 : memref<512xf32, #tpu.memory_space<vmem>>) offsets(%dma_start3A_321 : memref<512xi32, #tpu.memory_space<vmem>>) semaphore(%arg7 : memref<!tpu.dma_semaphore, #tpu.memory_space<semaphore_mem>>)
      %mul3A_327 = arith.constant 16 : i32
      %mul3A_328 = arith.muli %add3A_42, %mul3A_327 : i32
      %add3A_329 = arith.constant 15 : i32
      %add3A_330 = arith.addi %mul3A_328, %add3A_329 : i32
      %mul3A_331 = arith.constant 16 : i32
      %mul3A_332 = arith.muli %scan3A_39, %mul3A_331 : i32
      %add3A_333 = arith.constant 15 : i32
      %add3A_334 = arith.addi %mul3A_332, %add3A_333 : i32
      %dma_start3A_335 = arith.constant 0 : i32
      %dma_start3A_336 = tpu.memref_slice %arg6[%add3A_334, %dma_start3A_335] : memref<208x512xf32, #tpu.memory_space<vmem>> -> memref<1x512xf32, #tpu.memory_space<vmem>>
      %dma_start3A_337 = tpu.memref_squeeze %dma_start3A_336 : memref<1x512xf32, #tpu.memory_space<vmem>> -> memref<512xf32, #tpu.memory_space<vmem>>
      %dma_start3A_338 = arith.constant 0 : i32
      %dma_start3A_339 = tpu.memref_slice %arg5[%add3A_42, %dma_start3A_338] : memref<26x512xi32, #tpu.memory_space<vmem>> -> memref<1x512xi32, #tpu.memory_space<vmem>>
      %dma_start3A_340 = tpu.memref_squeeze %dma_start3A_339 : memref<1x512xi32, #tpu.memory_space<vmem>> -> memref<512xi32, #tpu.memory_space<vmem>>
      %dma_start3A_341 = arith.constant 0 : i32
      %dma_start3A_342 = tpu.memref_slice %arg2[%add3A_330, %dma_start3A_341] : memref<416x100000xf32, #tpu.memory_space<hbm>> -> memref<1x100000xf32, #tpu.memory_space<hbm>>
      %dma_start3A_343 = tpu.memref_squeeze %dma_start3A_342 : memref<1x100000xf32, #tpu.memory_space<hbm>> -> memref<100000xf32, #tpu.memory_space<hbm>>
      %dma_start3A_344 = arith.constant 0 : i32
      %dma_start3A_345 = tpu.memref_slice %dma_start3A_343[%dma_start3A_344] : memref<100000xf32, #tpu.memory_space<hbm>> -> memref<100000xf32, #tpu.memory_space<hbm>>
      tpu.enqueue_indirect_dma source(%dma_start3A_345 : memref<100000xf32, #tpu.memory_space<hbm>>) target(%dma_start3A_337 : memref<512xf32, #tpu.memory_space<vmem>>) offsets(%dma_start3A_340 : memref<512xi32, #tpu.memory_space<vmem>>) semaphore(%arg7 : memref<!tpu.dma_semaphore, #tpu.memory_space<semaphore_mem>>)
      %gt3A = arith.constant 0 : i32
      %gt3A_346 = arith.cmpi sgt, %scan3A_39, %gt3A : i32
      %convert_element_type3A = arith.extui %gt3A_346 : i1 to i32
      %cond3A = arith.constant 0 : i32
      %cond3A_347 = arith.cmpi ne, %convert_element_type3A, %cond3A : i32
      scf.if %cond3A_347 {
        %dma_wait3A_349 = arith.constant 0 : i32
        %dma_wait3A_350 = arith.constant 0 : i32
        %dma_wait3A_351 = tpu.memref_slice %arg6[%dma_wait3A_349, %dma_wait3A_350] : memref<208x512xf32, #tpu.memory_space<vmem>> -> memref<16x512xf32, #tpu.memory_space<vmem>>
        %dma_wait3A_352 = arith.constant 0 : i32
        %dma_wait3A_353 = arith.constant 0 : i32
        %dma_wait3A_354 = tpu.memref_slice %arg2[%dma_wait3A_352, %dma_wait3A_353] : memref<416x100000xf32, #tpu.memory_space<hbm>> -> memref<16x512xf32, #tpu.memory_space<hbm>>
        %dma_wait3A_355 = arith.constant 0 : i32
        %dma_wait3A_356 = arith.constant 0 : i32
        %dma_wait3A_357 = tpu.memref_slice %arg6[%dma_wait3A_355, %dma_wait3A_356] : memref<208x512xf32, #tpu.memory_space<vmem>> -> memref<16x512xf32, #tpu.memory_space<vmem>>
        %dma_wait3A_358 = arith.constant 0 : i32
        %dma_wait3A_359 = arith.constant 0 : i32
        %dma_wait3A_360 = tpu.memref_slice %arg2[%dma_wait3A_358, %dma_wait3A_359] : memref<416x100000xf32, #tpu.memory_space<hbm>> -> memref<16x512xf32, #tpu.memory_space<hbm>>
        tpu.wait_dma2 semaphore(%arg7 : memref<!tpu.dma_semaphore, #tpu.memory_space<semaphore_mem>>) src(%dma_wait3A_360 : memref<16x512xf32, #tpu.memory_space<hbm>>) dst(%dma_wait3A_357 : memref<16x512xf32, #tpu.memory_space<vmem>>)
      } else {
      }
      %scan3A_348 = arith.constant 0 : i32
      scf.yield %scan3A_348 : i32
    }
    %scan3A_8 = arith.constant 13 : i32
    %dma_wait3A = arith.constant 0 : i32
    %dma_wait3A_9 = arith.constant 0 : i32
    %dma_wait3A_10 = tpu.memref_slice %arg6[%dma_wait3A, %dma_wait3A_9] : memref<208x512xf32, #tpu.memory_space<vmem>> -> memref<16x512xf32, #tpu.memory_space<vmem>>
    %dma_wait3A_11 = arith.constant 0 : i32
    %dma_wait3A_12 = arith.constant 0 : i32
    %dma_wait3A_13 = tpu.memref_slice %arg2[%dma_wait3A_11, %dma_wait3A_12] : memref<416x100000xf32, #tpu.memory_space<hbm>> -> memref<16x512xf32, #tpu.memory_space<hbm>>
    %dma_wait3A_14 = arith.constant 0 : i32
    %dma_wait3A_15 = arith.constant 0 : i32
    %dma_wait3A_16 = tpu.memref_slice %arg6[%dma_wait3A_14, %dma_wait3A_15] : memref<208x512xf32, #tpu.memory_space<vmem>> -> memref<16x512xf32, #tpu.memory_space<vmem>>
    %dma_wait3A_17 = arith.constant 0 : i32
    %dma_wait3A_18 = arith.constant 0 : i32
    %dma_wait3A_19 = tpu.memref_slice %arg2[%dma_wait3A_17, %dma_wait3A_18] : memref<416x100000xf32, #tpu.memory_space<hbm>> -> memref<16x512xf32, #tpu.memory_space<hbm>>
    tpu.wait_dma2 semaphore(%arg7 : memref<!tpu.dma_semaphore, #tpu.memory_space<semaphore_mem>>) src(%dma_wait3A_19 : memref<16x512xf32, #tpu.memory_space<hbm>>) dst(%dma_wait3A_16 : memref<16x512xf32, #tpu.memory_space<vmem>>)
    "tpu.region"() ({
      %run_scoped3A = tpu.sem_alloc : memref<!tpu.dma_semaphore, #tpu.memory_space<semaphore_mem>>
      %dma_start3A = arith.constant 0 : i32
      %dma_start3A_39 = tpu.memref_slice %arg4[%dma_start3A, %mul3A_2] : memref<416x16384xf32, #tpu.memory_space<hbm>> -> memref<208x512xf32, #tpu.memory_space<hbm>>
      %dma_start3A_40 = arith.constant 0 : i32
      %dma_start3A_41 = tpu.memref_slice %arg4[%dma_start3A_40, %mul3A_2] : memref<416x16384xf32, #tpu.memory_space<hbm>> -> memref<208x512xf32, #tpu.memory_space<hbm>>
      tpu.enqueue_dma source(%arg6 : memref<208x512xf32, #tpu.memory_space<vmem>>) target(%dma_start3A_41 : memref<208x512xf32, #tpu.memory_space<hbm>>) target_semaphore(%run_scoped3A : memref<!tpu.dma_semaphore, #tpu.memory_space<semaphore_mem>>)
      %dma_wait3A_42 = arith.constant 0 : i32
      %dma_wait3A_43 = tpu.memref_slice %arg4[%dma_wait3A_42, %mul3A_2] : memref<416x16384xf32, #tpu.memory_space<hbm>> -> memref<208x512xf32, #tpu.memory_space<hbm>>
      %dma_wait3A_44 = arith.constant 0 : i32
      %dma_wait3A_45 = tpu.memref_slice %arg4[%dma_wait3A_44, %mul3A_2] : memref<416x16384xf32, #tpu.memory_space<hbm>> -> memref<208x512xf32, #tpu.memory_space<hbm>>
      tpu.wait_dma2 semaphore(%run_scoped3A : memref<!tpu.dma_semaphore, #tpu.memory_space<semaphore_mem>>) src(%arg6 : memref<208x512xf32, #tpu.memory_space<vmem>>) dst(%dma_wait3A_45 : memref<208x512xf32, #tpu.memory_space<hbm>>)
      tpu.yield
    }) : () -> ()
    %scan3A_20 = arith.constant 0 : i32
    %scan3A_21 = arith.constant 0 : i32
    %scan3A_22 = arith.constant 13 : i32
    %scan3A_23 = arith.addi %scan3A_21, %scan3A_22 : i32
    %scan3A_24 = arith.constant 1 : i32
    %scan3A_25 = scf.for %scan3A_39 = %scan3A_21 to %scan3A_23 step %scan3A_24 iter_args(%scan3A_40 = %scan3A_20) -> (i32)  : i32 {
      %add3A_41 = arith.constant 13 : i32
      %add3A_42 = arith.addi %add3A_41, %scan3A_39 : i32
      %mul3A_43 = arith.constant 16 : i32
      %mul3A_44 = arith.muli %add3A_42, %mul3A_43 : i32
      %add3A_45 = arith.constant 0 : i32
      %add3A_46 = arith.addi %mul3A_44, %add3A_45 : i32
      %mul3A_47 = arith.constant 16 : i32
      %mul3A_48 = arith.muli %scan3A_39, %mul3A_47 : i32
      %add3A_49 = arith.constant 0 : i32
      %add3A_50 = arith.addi %mul3A_48, %add3A_49 : i32
      %dma_start3A = arith.constant 0 : i32
      %dma_start3A_51 = tpu.memref_slice %arg6[%add3A_50, %dma_start3A] : memref<208x512xf32, #tpu.memory_space<vmem>> -> memref<1x512xf32, #tpu.memory_space<vmem>>
      %dma_start3A_52 = tpu.memref_squeeze %dma_start3A_51 : memref<1x512xf32, #tpu.memory_space<vmem>> -> memref<512xf32, #tpu.memory_space<vmem>>
      %dma_start3A_53 = arith.constant 0 : i32
      %dma_start3A_54 = tpu.memref_slice %arg5[%add3A_42, %dma_start3A_53] : memref<26x512xi32, #tpu.memory_space<vmem>> -> memref<1x512xi32, #tpu.memory_space<vmem>>
      %dma_start3A_55 = tpu.memref_squeeze %dma_start3A_54 : memref<1x512xi32, #tpu.memory_space<vmem>> -> memref<512xi32, #tpu.memory_space<vmem>>
      %dma_start3A_56 = arith.constant 0 : i32
      %dma_start3A_57 = tpu.memref_slice %arg2[%add3A_46, %dma_start3A_56] : memref<416x100000xf32, #tpu.memory_space<hbm>> -> memref<1x100000xf32, #tpu.memory_space<hbm>>
      %dma_start3A_58 = tpu.memref_squeeze %dma_start3A_57 : memref<1x100000xf32, #tpu.memory_space<hbm>> -> memref<100000xf32, #tpu.memory_space<hbm>>
      %dma_start3A_59 = arith.constant 0 : i32
      %dma_start3A_60 = tpu.memref_slice %dma_start3A_58[%dma_start3A_59] : memref<100000xf32, #tpu.memory_space<hbm>> -> memref<100000xf32, #tpu.memory_space<hbm>>
      tpu.enqueue_indirect_dma source(%dma_start3A_60 : memref<100000xf32, #tpu.memory_space<hbm>>) target(%dma_start3A_52 : memref<512xf32, #tpu.memory_space<vmem>>) offsets(%dma_start3A_55 : memref<512xi32, #tpu.memory_space<vmem>>) semaphore(%arg7 : memref<!tpu.dma_semaphore, #tpu.memory_space<semaphore_mem>>)
      %mul3A_61 = arith.constant 16 : i32
      %mul3A_62 = arith.muli %add3A_42, %mul3A_61 : i32
      %add3A_63 = arith.constant 1 : i32
      %add3A_64 = arith.addi %mul3A_62, %add3A_63 : i32
      %mul3A_65 = arith.constant 16 : i32
      %mul3A_66 = arith.muli %scan3A_39, %mul3A_65 : i32
      %add3A_67 = arith.constant 1 : i32
      %add3A_68 = arith.addi %mul3A_66, %add3A_67 : i32
      %dma_start3A_69 = arith.constant 0 : i32
      %dma_start3A_70 = tpu.memref_slice %arg6[%add3A_68, %dma_start3A_69] : memref<208x512xf32, #tpu.memory_space<vmem>> -> memref<1x512xf32, #tpu.memory_space<vmem>>
      %dma_start3A_71 = tpu.memref_squeeze %dma_start3A_70 : memref<1x512xf32, #tpu.memory_space<vmem>> -> memref<512xf32, #tpu.memory_space<vmem>>
      %dma_start3A_72 = arith.constant 0 : i32
      %dma_start3A_73 = tpu.memref_slice %arg5[%add3A_42, %dma_start3A_72] : memref<26x512xi32, #tpu.memory_space<vmem>> -> memref<1x512xi32, #tpu.memory_space<vmem>>
      %dma_start3A_74 = tpu.memref_squeeze %dma_start3A_73 : memref<1x512xi32, #tpu.memory_space<vmem>> -> memref<512xi32, #tpu.memory_space<vmem>>
      %dma_start3A_75 = arith.constant 0 : i32
      %dma_start3A_76 = tpu.memref_slice %arg2[%add3A_64, %dma_start3A_75] : memref<416x100000xf32, #tpu.memory_space<hbm>> -> memref<1x100000xf32, #tpu.memory_space<hbm>>
      %dma_start3A_77 = tpu.memref_squeeze %dma_start3A_76 : memref<1x100000xf32, #tpu.memory_space<hbm>> -> memref<100000xf32, #tpu.memory_space<hbm>>
      %dma_start3A_78 = arith.constant 0 : i32
      %dma_start3A_79 = tpu.memref_slice %dma_start3A_77[%dma_start3A_78] : memref<100000xf32, #tpu.memory_space<hbm>> -> memref<100000xf32, #tpu.memory_space<hbm>>
      tpu.enqueue_indirect_dma source(%dma_start3A_79 : memref<100000xf32, #tpu.memory_space<hbm>>) target(%dma_start3A_71 : memref<512xf32, #tpu.memory_space<vmem>>) offsets(%dma_start3A_74 : memref<512xi32, #tpu.memory_space<vmem>>) semaphore(%arg7 : memref<!tpu.dma_semaphore, #tpu.memory_space<semaphore_mem>>)
      %mul3A_80 = arith.constant 16 : i32
      %mul3A_81 = arith.muli %add3A_42, %mul3A_80 : i32
      %add3A_82 = arith.constant 2 : i32
      %add3A_83 = arith.addi %mul3A_81, %add3A_82 : i32
      %mul3A_84 = arith.constant 16 : i32
      %mul3A_85 = arith.muli %scan3A_39, %mul3A_84 : i32
      %add3A_86 = arith.constant 2 : i32
      %add3A_87 = arith.addi %mul3A_85, %add3A_86 : i32
      %dma_start3A_88 = arith.constant 0 : i32
      %dma_start3A_89 = tpu.memref_slice %arg6[%add3A_87, %dma_start3A_88] : memref<208x512xf32, #tpu.memory_space<vmem>> -> memref<1x512xf32, #tpu.memory_space<vmem>>
      %dma_start3A_90 = tpu.memref_squeeze %dma_start3A_89 : memref<1x512xf32, #tpu.memory_space<vmem>> -> memref<512xf32, #tpu.memory_space<vmem>>
      %dma_start3A_91 = arith.constant 0 : i32
      %dma_start3A_92 = tpu.memref_slice %arg5[%add3A_42, %dma_start3A_91] : memref<26x512xi32, #tpu.memory_space<vmem>> -> memref<1x512xi32, #tpu.memory_space<vmem>>
      %dma_start3A_93 = tpu.memref_squeeze %dma_start3A_92 : memref<1x512xi32, #tpu.memory_space<vmem>> -> memref<512xi32, #tpu.memory_space<vmem>>
      %dma_start3A_94 = arith.constant 0 : i32
      %dma_start3A_95 = tpu.memref_slice %arg2[%add3A_83, %dma_start3A_94] : memref<416x100000xf32, #tpu.memory_space<hbm>> -> memref<1x100000xf32, #tpu.memory_space<hbm>>
      %dma_start3A_96 = tpu.memref_squeeze %dma_start3A_95 : memref<1x100000xf32, #tpu.memory_space<hbm>> -> memref<100000xf32, #tpu.memory_space<hbm>>
      %dma_start3A_97 = arith.constant 0 : i32
      %dma_start3A_98 = tpu.memref_slice %dma_start3A_96[%dma_start3A_97] : memref<100000xf32, #tpu.memory_space<hbm>> -> memref<100000xf32, #tpu.memory_space<hbm>>
      tpu.enqueue_indirect_dma source(%dma_start3A_98 : memref<100000xf32, #tpu.memory_space<hbm>>) target(%dma_start3A_90 : memref<512xf32, #tpu.memory_space<vmem>>) offsets(%dma_start3A_93 : memref<512xi32, #tpu.memory_space<vmem>>) semaphore(%arg7 : memref<!tpu.dma_semaphore, #tpu.memory_space<semaphore_mem>>)
      %mul3A_99 = arith.constant 16 : i32
      %mul3A_100 = arith.muli %add3A_42, %mul3A_99 : i32
      %add3A_101 = arith.constant 3 : i32
      %add3A_102 = arith.addi %mul3A_100, %add3A_101 : i32
      %mul3A_103 = arith.constant 16 : i32
      %mul3A_104 = arith.muli %scan3A_39, %mul3A_103 : i32
      %add3A_105 = arith.constant 3 : i32
      %add3A_106 = arith.addi %mul3A_104, %add3A_105 : i32
      %dma_start3A_107 = arith.constant 0 : i32
      %dma_start3A_108 = tpu.memref_slice %arg6[%add3A_106, %dma_start3A_107] : memref<208x512xf32, #tpu.memory_space<vmem>> -> memref<1x512xf32, #tpu.memory_space<vmem>>
      %dma_start3A_109 = tpu.memref_squeeze %dma_start3A_108 : memref<1x512xf32, #tpu.memory_space<vmem>> -> memref<512xf32, #tpu.memory_space<vmem>>
      %dma_start3A_110 = arith.constant 0 : i32
      %dma_start3A_111 = tpu.memref_slice %arg5[%add3A_42, %dma_start3A_110] : memref<26x512xi32, #tpu.memory_space<vmem>> -> memref<1x512xi32, #tpu.memory_space<vmem>>
      %dma_start3A_112 = tpu.memref_squeeze %dma_start3A_111 : memref<1x512xi32, #tpu.memory_space<vmem>> -> memref<512xi32, #tpu.memory_space<vmem>>
      %dma_start3A_113 = arith.constant 0 : i32
      %dma_start3A_114 = tpu.memref_slice %arg2[%add3A_102, %dma_start3A_113] : memref<416x100000xf32, #tpu.memory_space<hbm>> -> memref<1x100000xf32, #tpu.memory_space<hbm>>
      %dma_start3A_115 = tpu.memref_squeeze %dma_start3A_114 : memref<1x100000xf32, #tpu.memory_space<hbm>> -> memref<100000xf32, #tpu.memory_space<hbm>>
      %dma_start3A_116 = arith.constant 0 : i32
      %dma_start3A_117 = tpu.memref_slice %dma_start3A_115[%dma_start3A_116] : memref<100000xf32, #tpu.memory_space<hbm>> -> memref<100000xf32, #tpu.memory_space<hbm>>
      tpu.enqueue_indirect_dma source(%dma_start3A_117 : memref<100000xf32, #tpu.memory_space<hbm>>) target(%dma_start3A_109 : memref<512xf32, #tpu.memory_space<vmem>>) offsets(%dma_start3A_112 : memref<512xi32, #tpu.memory_space<vmem>>) semaphore(%arg7 : memref<!tpu.dma_semaphore, #tpu.memory_space<semaphore_mem>>)
      %mul3A_118 = arith.constant 16 : i32
      %mul3A_119 = arith.muli %add3A_42, %mul3A_118 : i32
      %add3A_120 = arith.constant 4 : i32
      %add3A_121 = arith.addi %mul3A_119, %add3A_120 : i32
      %mul3A_122 = arith.constant 16 : i32
      %mul3A_123 = arith.muli %scan3A_39, %mul3A_122 : i32
      %add3A_124 = arith.constant 4 : i32
      %add3A_125 = arith.addi %mul3A_123, %add3A_124 : i32
      %dma_start3A_126 = arith.constant 0 : i32
      %dma_start3A_127 = tpu.memref_slice %arg6[%add3A_125, %dma_start3A_126] : memref<208x512xf32, #tpu.memory_space<vmem>> -> memref<1x512xf32, #tpu.memory_space<vmem>>
      %dma_start3A_128 = tpu.memref_squeeze %dma_start3A_127 : memref<1x512xf32, #tpu.memory_space<vmem>> -> memref<512xf32, #tpu.memory_space<vmem>>
      %dma_start3A_129 = arith.constant 0 : i32
      %dma_start3A_130 = tpu.memref_slice %arg5[%add3A_42, %dma_start3A_129] : memref<26x512xi32, #tpu.memory_space<vmem>> -> memref<1x512xi32, #tpu.memory_space<vmem>>
      %dma_start3A_131 = tpu.memref_squeeze %dma_start3A_130 : memref<1x512xi32, #tpu.memory_space<vmem>> -> memref<512xi32, #tpu.memory_space<vmem>>
      %dma_start3A_132 = arith.constant 0 : i32
      %dma_start3A_133 = tpu.memref_slice %arg2[%add3A_121, %dma_start3A_132] : memref<416x100000xf32, #tpu.memory_space<hbm>> -> memref<1x100000xf32, #tpu.memory_space<hbm>>
      %dma_start3A_134 = tpu.memref_squeeze %dma_start3A_133 : memref<1x100000xf32, #tpu.memory_space<hbm>> -> memref<100000xf32, #tpu.memory_space<hbm>>
      %dma_start3A_135 = arith.constant 0 : i32
      %dma_start3A_136 = tpu.memref_slice %dma_start3A_134[%dma_start3A_135] : memref<100000xf32, #tpu.memory_space<hbm>> -> memref<100000xf32, #tpu.memory_space<hbm>>
      tpu.enqueue_indirect_dma source(%dma_start3A_136 : memref<100000xf32, #tpu.memory_space<hbm>>) target(%dma_start3A_128 : memref<512xf32, #tpu.memory_space<vmem>>) offsets(%dma_start3A_131 : memref<512xi32, #tpu.memory_space<vmem>>) semaphore(%arg7 : memref<!tpu.dma_semaphore, #tpu.memory_space<semaphore_mem>>)
      %mul3A_137 = arith.constant 16 : i32
      %mul3A_138 = arith.muli %add3A_42, %mul3A_137 : i32
      %add3A_139 = arith.constant 5 : i32
      %add3A_140 = arith.addi %mul3A_138, %add3A_139 : i32
      %mul3A_141 = arith.constant 16 : i32
      %mul3A_142 = arith.muli %scan3A_39, %mul3A_141 : i32
      %add3A_143 = arith.constant 5 : i32
      %add3A_144 = arith.addi %mul3A_142, %add3A_143 : i32
      %dma_start3A_145 = arith.constant 0 : i32
      %dma_start3A_146 = tpu.memref_slice %arg6[%add3A_144, %dma_start3A_145] : memref<208x512xf32, #tpu.memory_space<vmem>> -> memref<1x512xf32, #tpu.memory_space<vmem>>
      %dma_start3A_147 = tpu.memref_squeeze %dma_start3A_146 : memref<1x512xf32, #tpu.memory_space<vmem>> -> memref<512xf32, #tpu.memory_space<vmem>>
      %dma_start3A_148 = arith.constant 0 : i32
      %dma_start3A_149 = tpu.memref_slice %arg5[%add3A_42, %dma_start3A_148] : memref<26x512xi32, #tpu.memory_space<vmem>> -> memref<1x512xi32, #tpu.memory_space<vmem>>
      %dma_start3A_150 = tpu.memref_squeeze %dma_start3A_149 : memref<1x512xi32, #tpu.memory_space<vmem>> -> memref<512xi32, #tpu.memory_space<vmem>>
      %dma_start3A_151 = arith.constant 0 : i32
      %dma_start3A_152 = tpu.memref_slice %arg2[%add3A_140, %dma_start3A_151] : memref<416x100000xf32, #tpu.memory_space<hbm>> -> memref<1x100000xf32, #tpu.memory_space<hbm>>
      %dma_start3A_153 = tpu.memref_squeeze %dma_start3A_152 : memref<1x100000xf32, #tpu.memory_space<hbm>> -> memref<100000xf32, #tpu.memory_space<hbm>>
      %dma_start3A_154 = arith.constant 0 : i32
      %dma_start3A_155 = tpu.memref_slice %dma_start3A_153[%dma_start3A_154] : memref<100000xf32, #tpu.memory_space<hbm>> -> memref<100000xf32, #tpu.memory_space<hbm>>
      tpu.enqueue_indirect_dma source(%dma_start3A_155 : memref<100000xf32, #tpu.memory_space<hbm>>) target(%dma_start3A_147 : memref<512xf32, #tpu.memory_space<vmem>>) offsets(%dma_start3A_150 : memref<512xi32, #tpu.memory_space<vmem>>) semaphore(%arg7 : memref<!tpu.dma_semaphore, #tpu.memory_space<semaphore_mem>>)
      %mul3A_156 = arith.constant 16 : i32
      %mul3A_157 = arith.muli %add3A_42, %mul3A_156 : i32
      %add3A_158 = arith.constant 6 : i32
      %add3A_159 = arith.addi %mul3A_157, %add3A_158 : i32
      %mul3A_160 = arith.constant 16 : i32
      %mul3A_161 = arith.muli %scan3A_39, %mul3A_160 : i32
      %add3A_162 = arith.constant 6 : i32
      %add3A_163 = arith.addi %mul3A_161, %add3A_162 : i32
      %dma_start3A_164 = arith.constant 0 : i32
      %dma_start3A_165 = tpu.memref_slice %arg6[%add3A_163, %dma_start3A_164] : memref<208x512xf32, #tpu.memory_space<vmem>> -> memref<1x512xf32, #tpu.memory_space<vmem>>
      %dma_start3A_166 = tpu.memref_squeeze %dma_start3A_165 : memref<1x512xf32, #tpu.memory_space<vmem>> -> memref<512xf32, #tpu.memory_space<vmem>>
      %dma_start3A_167 = arith.constant 0 : i32
      %dma_start3A_168 = tpu.memref_slice %arg5[%add3A_42, %dma_start3A_167] : memref<26x512xi32, #tpu.memory_space<vmem>> -> memref<1x512xi32, #tpu.memory_space<vmem>>
      %dma_start3A_169 = tpu.memref_squeeze %dma_start3A_168 : memref<1x512xi32, #tpu.memory_space<vmem>> -> memref<512xi32, #tpu.memory_space<vmem>>
      %dma_start3A_170 = arith.constant 0 : i32
      %dma_start3A_171 = tpu.memref_slice %arg2[%add3A_159, %dma_start3A_170] : memref<416x100000xf32, #tpu.memory_space<hbm>> -> memref<1x100000xf32, #tpu.memory_space<hbm>>
      %dma_start3A_172 = tpu.memref_squeeze %dma_start3A_171 : memref<1x100000xf32, #tpu.memory_space<hbm>> -> memref<100000xf32, #tpu.memory_space<hbm>>
      %dma_start3A_173 = arith.constant 0 : i32
      %dma_start3A_174 = tpu.memref_slice %dma_start3A_172[%dma_start3A_173] : memref<100000xf32, #tpu.memory_space<hbm>> -> memref<100000xf32, #tpu.memory_space<hbm>>
      tpu.enqueue_indirect_dma source(%dma_start3A_174 : memref<100000xf32, #tpu.memory_space<hbm>>) target(%dma_start3A_166 : memref<512xf32, #tpu.memory_space<vmem>>) offsets(%dma_start3A_169 : memref<512xi32, #tpu.memory_space<vmem>>) semaphore(%arg7 : memref<!tpu.dma_semaphore, #tpu.memory_space<semaphore_mem>>)
      %mul3A_175 = arith.constant 16 : i32
      %mul3A_176 = arith.muli %add3A_42, %mul3A_175 : i32
      %add3A_177 = arith.constant 7 : i32
      %add3A_178 = arith.addi %mul3A_176, %add3A_177 : i32
      %mul3A_179 = arith.constant 16 : i32
      %mul3A_180 = arith.muli %scan3A_39, %mul3A_179 : i32
      %add3A_181 = arith.constant 7 : i32
      %add3A_182 = arith.addi %mul3A_180, %add3A_181 : i32
      %dma_start3A_183 = arith.constant 0 : i32
      %dma_start3A_184 = tpu.memref_slice %arg6[%add3A_182, %dma_start3A_183] : memref<208x512xf32, #tpu.memory_space<vmem>> -> memref<1x512xf32, #tpu.memory_space<vmem>>
      %dma_start3A_185 = tpu.memref_squeeze %dma_start3A_184 : memref<1x512xf32, #tpu.memory_space<vmem>> -> memref<512xf32, #tpu.memory_space<vmem>>
      %dma_start3A_186 = arith.constant 0 : i32
      %dma_start3A_187 = tpu.memref_slice %arg5[%add3A_42, %dma_start3A_186] : memref<26x512xi32, #tpu.memory_space<vmem>> -> memref<1x512xi32, #tpu.memory_space<vmem>>
      %dma_start3A_188 = tpu.memref_squeeze %dma_start3A_187 : memref<1x512xi32, #tpu.memory_space<vmem>> -> memref<512xi32, #tpu.memory_space<vmem>>
      %dma_start3A_189 = arith.constant 0 : i32
      %dma_start3A_190 = tpu.memref_slice %arg2[%add3A_178, %dma_start3A_189] : memref<416x100000xf32, #tpu.memory_space<hbm>> -> memref<1x100000xf32, #tpu.memory_space<hbm>>
      %dma_start3A_191 = tpu.memref_squeeze %dma_start3A_190 : memref<1x100000xf32, #tpu.memory_space<hbm>> -> memref<100000xf32, #tpu.memory_space<hbm>>
      %dma_start3A_192 = arith.constant 0 : i32
      %dma_start3A_193 = tpu.memref_slice %dma_start3A_191[%dma_start3A_192] : memref<100000xf32, #tpu.memory_space<hbm>> -> memref<100000xf32, #tpu.memory_space<hbm>>
      tpu.enqueue_indirect_dma source(%dma_start3A_193 : memref<100000xf32, #tpu.memory_space<hbm>>) target(%dma_start3A_185 : memref<512xf32, #tpu.memory_space<vmem>>) offsets(%dma_start3A_188 : memref<512xi32, #tpu.memory_space<vmem>>) semaphore(%arg7 : memref<!tpu.dma_semaphore, #tpu.memory_space<semaphore_mem>>)
      %mul3A_194 = arith.constant 16 : i32
      %mul3A_195 = arith.muli %add3A_42, %mul3A_194 : i32
      %add3A_196 = arith.constant 8 : i32
      %add3A_197 = arith.addi %mul3A_195, %add3A_196 : i32
      %mul3A_198 = arith.constant 16 : i32
      %mul3A_199 = arith.muli %scan3A_39, %mul3A_198 : i32
      %add3A_200 = arith.constant 8 : i32
      %add3A_201 = arith.addi %mul3A_199, %add3A_200 : i32
      %dma_start3A_202 = arith.constant 0 : i32
      %dma_start3A_203 = tpu.memref_slice %arg6[%add3A_201, %dma_start3A_202] : memref<208x512xf32, #tpu.memory_space<vmem>> -> memref<1x512xf32, #tpu.memory_space<vmem>>
      %dma_start3A_204 = tpu.memref_squeeze %dma_start3A_203 : memref<1x512xf32, #tpu.memory_space<vmem>> -> memref<512xf32, #tpu.memory_space<vmem>>
      %dma_start3A_205 = arith.constant 0 : i32
      %dma_start3A_206 = tpu.memref_slice %arg5[%add3A_42, %dma_start3A_205] : memref<26x512xi32, #tpu.memory_space<vmem>> -> memref<1x512xi32, #tpu.memory_space<vmem>>
      %dma_start3A_207 = tpu.memref_squeeze %dma_start3A_206 : memref<1x512xi32, #tpu.memory_space<vmem>> -> memref<512xi32, #tpu.memory_space<vmem>>
      %dma_start3A_208 = arith.constant 0 : i32
      %dma_start3A_209 = tpu.memref_slice %arg2[%add3A_197, %dma_start3A_208] : memref<416x100000xf32, #tpu.memory_space<hbm>> -> memref<1x100000xf32, #tpu.memory_space<hbm>>
      %dma_start3A_210 = tpu.memref_squeeze %dma_start3A_209 : memref<1x100000xf32, #tpu.memory_space<hbm>> -> memref<100000xf32, #tpu.memory_space<hbm>>
      %dma_start3A_211 = arith.constant 0 : i32
      %dma_start3A_212 = tpu.memref_slice %dma_start3A_210[%dma_start3A_211] : memref<100000xf32, #tpu.memory_space<hbm>> -> memref<100000xf32, #tpu.memory_space<hbm>>
      tpu.enqueue_indirect_dma source(%dma_start3A_212 : memref<100000xf32, #tpu.memory_space<hbm>>) target(%dma_start3A_204 : memref<512xf32, #tpu.memory_space<vmem>>) offsets(%dma_start3A_207 : memref<512xi32, #tpu.memory_space<vmem>>) semaphore(%arg7 : memref<!tpu.dma_semaphore, #tpu.memory_space<semaphore_mem>>)
      %mul3A_213 = arith.constant 16 : i32
      %mul3A_214 = arith.muli %add3A_42, %mul3A_213 : i32
      %add3A_215 = arith.constant 9 : i32
      %add3A_216 = arith.addi %mul3A_214, %add3A_215 : i32
      %mul3A_217 = arith.constant 16 : i32
      %mul3A_218 = arith.muli %scan3A_39, %mul3A_217 : i32
      %add3A_219 = arith.constant 9 : i32
      %add3A_220 = arith.addi %mul3A_218, %add3A_219 : i32
      %dma_start3A_221 = arith.constant 0 : i32
      %dma_start3A_222 = tpu.memref_slice %arg6[%add3A_220, %dma_start3A_221] : memref<208x512xf32, #tpu.memory_space<vmem>> -> memref<1x512xf32, #tpu.memory_space<vmem>>
      %dma_start3A_223 = tpu.memref_squeeze %dma_start3A_222 : memref<1x512xf32, #tpu.memory_space<vmem>> -> memref<512xf32, #tpu.memory_space<vmem>>
      %dma_start3A_224 = arith.constant 0 : i32
      %dma_start3A_225 = tpu.memref_slice %arg5[%add3A_42, %dma_start3A_224] : memref<26x512xi32, #tpu.memory_space<vmem>> -> memref<1x512xi32, #tpu.memory_space<vmem>>
      %dma_start3A_226 = tpu.memref_squeeze %dma_start3A_225 : memref<1x512xi32, #tpu.memory_space<vmem>> -> memref<512xi32, #tpu.memory_space<vmem>>
      %dma_start3A_227 = arith.constant 0 : i32
      %dma_start3A_228 = tpu.memref_slice %arg2[%add3A_216, %dma_start3A_227] : memref<416x100000xf32, #tpu.memory_space<hbm>> -> memref<1x100000xf32, #tpu.memory_space<hbm>>
      %dma_start3A_229 = tpu.memref_squeeze %dma_start3A_228 : memref<1x100000xf32, #tpu.memory_space<hbm>> -> memref<100000xf32, #tpu.memory_space<hbm>>
      %dma_start3A_230 = arith.constant 0 : i32
      %dma_start3A_231 = tpu.memref_slice %dma_start3A_229[%dma_start3A_230] : memref<100000xf32, #tpu.memory_space<hbm>> -> memref<100000xf32, #tpu.memory_space<hbm>>
      tpu.enqueue_indirect_dma source(%dma_start3A_231 : memref<100000xf32, #tpu.memory_space<hbm>>) target(%dma_start3A_223 : memref<512xf32, #tpu.memory_space<vmem>>) offsets(%dma_start3A_226 : memref<512xi32, #tpu.memory_space<vmem>>) semaphore(%arg7 : memref<!tpu.dma_semaphore, #tpu.memory_space<semaphore_mem>>)
      %mul3A_232 = arith.constant 16 : i32
      %mul3A_233 = arith.muli %add3A_42, %mul3A_232 : i32
      %add3A_234 = arith.constant 10 : i32
      %add3A_235 = arith.addi %mul3A_233, %add3A_234 : i32
      %mul3A_236 = arith.constant 16 : i32
      %mul3A_237 = arith.muli %scan3A_39, %mul3A_236 : i32
      %add3A_238 = arith.constant 10 : i32
      %add3A_239 = arith.addi %mul3A_237, %add3A_238 : i32
      %dma_start3A_240 = arith.constant 0 : i32
      %dma_start3A_241 = tpu.memref_slice %arg6[%add3A_239, %dma_start3A_240] : memref<208x512xf32, #tpu.memory_space<vmem>> -> memref<1x512xf32, #tpu.memory_space<vmem>>
      %dma_start3A_242 = tpu.memref_squeeze %dma_start3A_241 : memref<1x512xf32, #tpu.memory_space<vmem>> -> memref<512xf32, #tpu.memory_space<vmem>>
      %dma_start3A_243 = arith.constant 0 : i32
      %dma_start3A_244 = tpu.memref_slice %arg5[%add3A_42, %dma_start3A_243] : memref<26x512xi32, #tpu.memory_space<vmem>> -> memref<1x512xi32, #tpu.memory_space<vmem>>
      %dma_start3A_245 = tpu.memref_squeeze %dma_start3A_244 : memref<1x512xi32, #tpu.memory_space<vmem>> -> memref<512xi32, #tpu.memory_space<vmem>>
      %dma_start3A_246 = arith.constant 0 : i32
      %dma_start3A_247 = tpu.memref_slice %arg2[%add3A_235, %dma_start3A_246] : memref<416x100000xf32, #tpu.memory_space<hbm>> -> memref<1x100000xf32, #tpu.memory_space<hbm>>
      %dma_start3A_248 = tpu.memref_squeeze %dma_start3A_247 : memref<1x100000xf32, #tpu.memory_space<hbm>> -> memref<100000xf32, #tpu.memory_space<hbm>>
      %dma_start3A_249 = arith.constant 0 : i32
      %dma_start3A_250 = tpu.memref_slice %dma_start3A_248[%dma_start3A_249] : memref<100000xf32, #tpu.memory_space<hbm>> -> memref<100000xf32, #tpu.memory_space<hbm>>
      tpu.enqueue_indirect_dma source(%dma_start3A_250 : memref<100000xf32, #tpu.memory_space<hbm>>) target(%dma_start3A_242 : memref<512xf32, #tpu.memory_space<vmem>>) offsets(%dma_start3A_245 : memref<512xi32, #tpu.memory_space<vmem>>) semaphore(%arg7 : memref<!tpu.dma_semaphore, #tpu.memory_space<semaphore_mem>>)
      %mul3A_251 = arith.constant 16 : i32
      %mul3A_252 = arith.muli %add3A_42, %mul3A_251 : i32
      %add3A_253 = arith.constant 11 : i32
      %add3A_254 = arith.addi %mul3A_252, %add3A_253 : i32
      %mul3A_255 = arith.constant 16 : i32
      %mul3A_256 = arith.muli %scan3A_39, %mul3A_255 : i32
      %add3A_257 = arith.constant 11 : i32
      %add3A_258 = arith.addi %mul3A_256, %add3A_257 : i32
      %dma_start3A_259 = arith.constant 0 : i32
      %dma_start3A_260 = tpu.memref_slice %arg6[%add3A_258, %dma_start3A_259] : memref<208x512xf32, #tpu.memory_space<vmem>> -> memref<1x512xf32, #tpu.memory_space<vmem>>
      %dma_start3A_261 = tpu.memref_squeeze %dma_start3A_260 : memref<1x512xf32, #tpu.memory_space<vmem>> -> memref<512xf32, #tpu.memory_space<vmem>>
      %dma_start3A_262 = arith.constant 0 : i32
      %dma_start3A_263 = tpu.memref_slice %arg5[%add3A_42, %dma_start3A_262] : memref<26x512xi32, #tpu.memory_space<vmem>> -> memref<1x512xi32, #tpu.memory_space<vmem>>
      %dma_start3A_264 = tpu.memref_squeeze %dma_start3A_263 : memref<1x512xi32, #tpu.memory_space<vmem>> -> memref<512xi32, #tpu.memory_space<vmem>>
      %dma_start3A_265 = arith.constant 0 : i32
      %dma_start3A_266 = tpu.memref_slice %arg2[%add3A_254, %dma_start3A_265] : memref<416x100000xf32, #tpu.memory_space<hbm>> -> memref<1x100000xf32, #tpu.memory_space<hbm>>
      %dma_start3A_267 = tpu.memref_squeeze %dma_start3A_266 : memref<1x100000xf32, #tpu.memory_space<hbm>> -> memref<100000xf32, #tpu.memory_space<hbm>>
      %dma_start3A_268 = arith.constant 0 : i32
      %dma_start3A_269 = tpu.memref_slice %dma_start3A_267[%dma_start3A_268] : memref<100000xf32, #tpu.memory_space<hbm>> -> memref<100000xf32, #tpu.memory_space<hbm>>
      tpu.enqueue_indirect_dma source(%dma_start3A_269 : memref<100000xf32, #tpu.memory_space<hbm>>) target(%dma_start3A_261 : memref<512xf32, #tpu.memory_space<vmem>>) offsets(%dma_start3A_264 : memref<512xi32, #tpu.memory_space<vmem>>) semaphore(%arg7 : memref<!tpu.dma_semaphore, #tpu.memory_space<semaphore_mem>>)
      %mul3A_270 = arith.constant 16 : i32
      %mul3A_271 = arith.muli %add3A_42, %mul3A_270 : i32
      %add3A_272 = arith.constant 12 : i32
      %add3A_273 = arith.addi %mul3A_271, %add3A_272 : i32
      %mul3A_274 = arith.constant 16 : i32
      %mul3A_275 = arith.muli %scan3A_39, %mul3A_274 : i32
      %add3A_276 = arith.constant 12 : i32
      %add3A_277 = arith.addi %mul3A_275, %add3A_276 : i32
      %dma_start3A_278 = arith.constant 0 : i32
      %dma_start3A_279 = tpu.memref_slice %arg6[%add3A_277, %dma_start3A_278] : memref<208x512xf32, #tpu.memory_space<vmem>> -> memref<1x512xf32, #tpu.memory_space<vmem>>
      %dma_start3A_280 = tpu.memref_squeeze %dma_start3A_279 : memref<1x512xf32, #tpu.memory_space<vmem>> -> memref<512xf32, #tpu.memory_space<vmem>>
      %dma_start3A_281 = arith.constant 0 : i32
      %dma_start3A_282 = tpu.memref_slice %arg5[%add3A_42, %dma_start3A_281] : memref<26x512xi32, #tpu.memory_space<vmem>> -> memref<1x512xi32, #tpu.memory_space<vmem>>
      %dma_start3A_283 = tpu.memref_squeeze %dma_start3A_282 : memref<1x512xi32, #tpu.memory_space<vmem>> -> memref<512xi32, #tpu.memory_space<vmem>>
      %dma_start3A_284 = arith.constant 0 : i32
      %dma_start3A_285 = tpu.memref_slice %arg2[%add3A_273, %dma_start3A_284] : memref<416x100000xf32, #tpu.memory_space<hbm>> -> memref<1x100000xf32, #tpu.memory_space<hbm>>
      %dma_start3A_286 = tpu.memref_squeeze %dma_start3A_285 : memref<1x100000xf32, #tpu.memory_space<hbm>> -> memref<100000xf32, #tpu.memory_space<hbm>>
      %dma_start3A_287 = arith.constant 0 : i32
      %dma_start3A_288 = tpu.memref_slice %dma_start3A_286[%dma_start3A_287] : memref<100000xf32, #tpu.memory_space<hbm>> -> memref<100000xf32, #tpu.memory_space<hbm>>
      tpu.enqueue_indirect_dma source(%dma_start3A_288 : memref<100000xf32, #tpu.memory_space<hbm>>) target(%dma_start3A_280 : memref<512xf32, #tpu.memory_space<vmem>>) offsets(%dma_start3A_283 : memref<512xi32, #tpu.memory_space<vmem>>) semaphore(%arg7 : memref<!tpu.dma_semaphore, #tpu.memory_space<semaphore_mem>>)
      %mul3A_289 = arith.constant 16 : i32
      %mul3A_290 = arith.muli %add3A_42, %mul3A_289 : i32
      %add3A_291 = arith.constant 13 : i32
      %add3A_292 = arith.addi %mul3A_290, %add3A_291 : i32
      %mul3A_293 = arith.constant 16 : i32
      %mul3A_294 = arith.muli %scan3A_39, %mul3A_293 : i32
      %add3A_295 = arith.constant 13 : i32
      %add3A_296 = arith.addi %mul3A_294, %add3A_295 : i32
      %dma_start3A_297 = arith.constant 0 : i32
      %dma_start3A_298 = tpu.memref_slice %arg6[%add3A_296, %dma_start3A_297] : memref<208x512xf32, #tpu.memory_space<vmem>> -> memref<1x512xf32, #tpu.memory_space<vmem>>
      %dma_start3A_299 = tpu.memref_squeeze %dma_start3A_298 : memref<1x512xf32, #tpu.memory_space<vmem>> -> memref<512xf32, #tpu.memory_space<vmem>>
      %dma_start3A_300 = arith.constant 0 : i32
      %dma_start3A_301 = tpu.memref_slice %arg5[%add3A_42, %dma_start3A_300] : memref<26x512xi32, #tpu.memory_space<vmem>> -> memref<1x512xi32, #tpu.memory_space<vmem>>
      %dma_start3A_302 = tpu.memref_squeeze %dma_start3A_301 : memref<1x512xi32, #tpu.memory_space<vmem>> -> memref<512xi32, #tpu.memory_space<vmem>>
      %dma_start3A_303 = arith.constant 0 : i32
      %dma_start3A_304 = tpu.memref_slice %arg2[%add3A_292, %dma_start3A_303] : memref<416x100000xf32, #tpu.memory_space<hbm>> -> memref<1x100000xf32, #tpu.memory_space<hbm>>
      %dma_start3A_305 = tpu.memref_squeeze %dma_start3A_304 : memref<1x100000xf32, #tpu.memory_space<hbm>> -> memref<100000xf32, #tpu.memory_space<hbm>>
      %dma_start3A_306 = arith.constant 0 : i32
      %dma_start3A_307 = tpu.memref_slice %dma_start3A_305[%dma_start3A_306] : memref<100000xf32, #tpu.memory_space<hbm>> -> memref<100000xf32, #tpu.memory_space<hbm>>
      tpu.enqueue_indirect_dma source(%dma_start3A_307 : memref<100000xf32, #tpu.memory_space<hbm>>) target(%dma_start3A_299 : memref<512xf32, #tpu.memory_space<vmem>>) offsets(%dma_start3A_302 : memref<512xi32, #tpu.memory_space<vmem>>) semaphore(%arg7 : memref<!tpu.dma_semaphore, #tpu.memory_space<semaphore_mem>>)
      %mul3A_308 = arith.constant 16 : i32
      %mul3A_309 = arith.muli %add3A_42, %mul3A_308 : i32
      %add3A_310 = arith.constant 14 : i32
      %add3A_311 = arith.addi %mul3A_309, %add3A_310 : i32
      %mul3A_312 = arith.constant 16 : i32
      %mul3A_313 = arith.muli %scan3A_39, %mul3A_312 : i32
      %add3A_314 = arith.constant 14 : i32
      %add3A_315 = arith.addi %mul3A_313, %add3A_314 : i32
      %dma_start3A_316 = arith.constant 0 : i32
      %dma_start3A_317 = tpu.memref_slice %arg6[%add3A_315, %dma_start3A_316] : memref<208x512xf32, #tpu.memory_space<vmem>> -> memref<1x512xf32, #tpu.memory_space<vmem>>
      %dma_start3A_318 = tpu.memref_squeeze %dma_start3A_317 : memref<1x512xf32, #tpu.memory_space<vmem>> -> memref<512xf32, #tpu.memory_space<vmem>>
      %dma_start3A_319 = arith.constant 0 : i32
      %dma_start3A_320 = tpu.memref_slice %arg5[%add3A_42, %dma_start3A_319] : memref<26x512xi32, #tpu.memory_space<vmem>> -> memref<1x512xi32, #tpu.memory_space<vmem>>
      %dma_start3A_321 = tpu.memref_squeeze %dma_start3A_320 : memref<1x512xi32, #tpu.memory_space<vmem>> -> memref<512xi32, #tpu.memory_space<vmem>>
      %dma_start3A_322 = arith.constant 0 : i32
      %dma_start3A_323 = tpu.memref_slice %arg2[%add3A_311, %dma_start3A_322] : memref<416x100000xf32, #tpu.memory_space<hbm>> -> memref<1x100000xf32, #tpu.memory_space<hbm>>
      %dma_start3A_324 = tpu.memref_squeeze %dma_start3A_323 : memref<1x100000xf32, #tpu.memory_space<hbm>> -> memref<100000xf32, #tpu.memory_space<hbm>>
      %dma_start3A_325 = arith.constant 0 : i32
      %dma_start3A_326 = tpu.memref_slice %dma_start3A_324[%dma_start3A_325] : memref<100000xf32, #tpu.memory_space<hbm>> -> memref<100000xf32, #tpu.memory_space<hbm>>
      tpu.enqueue_indirect_dma source(%dma_start3A_326 : memref<100000xf32, #tpu.memory_space<hbm>>) target(%dma_start3A_318 : memref<512xf32, #tpu.memory_space<vmem>>) offsets(%dma_start3A_321 : memref<512xi32, #tpu.memory_space<vmem>>) semaphore(%arg7 : memref<!tpu.dma_semaphore, #tpu.memory_space<semaphore_mem>>)
      %mul3A_327 = arith.constant 16 : i32
      %mul3A_328 = arith.muli %add3A_42, %mul3A_327 : i32
      %add3A_329 = arith.constant 15 : i32
      %add3A_330 = arith.addi %mul3A_328, %add3A_329 : i32
      %mul3A_331 = arith.constant 16 : i32
      %mul3A_332 = arith.muli %scan3A_39, %mul3A_331 : i32
      %add3A_333 = arith.constant 15 : i32
      %add3A_334 = arith.addi %mul3A_332, %add3A_333 : i32
      %dma_start3A_335 = arith.constant 0 : i32
      %dma_start3A_336 = tpu.memref_slice %arg6[%add3A_334, %dma_start3A_335] : memref<208x512xf32, #tpu.memory_space<vmem>> -> memref<1x512xf32, #tpu.memory_space<vmem>>
      %dma_start3A_337 = tpu.memref_squeeze %dma_start3A_336 : memref<1x512xf32, #tpu.memory_space<vmem>> -> memref<512xf32, #tpu.memory_space<vmem>>
      %dma_start3A_338 = arith.constant 0 : i32
      %dma_start3A_339 = tpu.memref_slice %arg5[%add3A_42, %dma_start3A_338] : memref<26x512xi32, #tpu.memory_space<vmem>> -> memref<1x512xi32, #tpu.memory_space<vmem>>
      %dma_start3A_340 = tpu.memref_squeeze %dma_start3A_339 : memref<1x512xi32, #tpu.memory_space<vmem>> -> memref<512xi32, #tpu.memory_space<vmem>>
      %dma_start3A_341 = arith.constant 0 : i32
      %dma_start3A_342 = tpu.memref_slice %arg2[%add3A_330, %dma_start3A_341] : memref<416x100000xf32, #tpu.memory_space<hbm>> -> memref<1x100000xf32, #tpu.memory_space<hbm>>
      %dma_start3A_343 = tpu.memref_squeeze %dma_start3A_342 : memref<1x100000xf32, #tpu.memory_space<hbm>> -> memref<100000xf32, #tpu.memory_space<hbm>>
      %dma_start3A_344 = arith.constant 0 : i32
      %dma_start3A_345 = tpu.memref_slice %dma_start3A_343[%dma_start3A_344] : memref<100000xf32, #tpu.memory_space<hbm>> -> memref<100000xf32, #tpu.memory_space<hbm>>
      tpu.enqueue_indirect_dma source(%dma_start3A_345 : memref<100000xf32, #tpu.memory_space<hbm>>) target(%dma_start3A_337 : memref<512xf32, #tpu.memory_space<vmem>>) offsets(%dma_start3A_340 : memref<512xi32, #tpu.memory_space<vmem>>) semaphore(%arg7 : memref<!tpu.dma_semaphore, #tpu.memory_space<semaphore_mem>>)
      %gt3A = arith.constant 0 : i32
      %gt3A_346 = arith.cmpi sgt, %scan3A_39, %gt3A : i32
      %convert_element_type3A = arith.extui %gt3A_346 : i1 to i32
      %cond3A = arith.constant 0 : i32
      %cond3A_347 = arith.cmpi ne, %convert_element_type3A, %cond3A : i32
      scf.if %cond3A_347 {
        %dma_wait3A_349 = arith.constant 0 : i32
        %dma_wait3A_350 = arith.constant 0 : i32
        %dma_wait3A_351 = tpu.memref_slice %arg6[%dma_wait3A_349, %dma_wait3A_350] : memref<208x512xf32, #tpu.memory_space<vmem>> -> memref<16x512xf32, #tpu.memory_space<vmem>>
        %dma_wait3A_352 = arith.constant 0 : i32
        %dma_wait3A_353 = arith.constant 0 : i32
        %dma_wait3A_354 = tpu.memref_slice %arg2[%dma_wait3A_352, %dma_wait3A_353] : memref<416x100000xf32, #tpu.memory_space<hbm>> -> memref<16x512xf32, #tpu.memory_space<hbm>>
        %dma_wait3A_355 = arith.constant 0 : i32
        %dma_wait3A_356 = arith.constant 0 : i32
        %dma_wait3A_357 = tpu.memref_slice %arg6[%dma_wait3A_355, %dma_wait3A_356] : memref<208x512xf32, #tpu.memory_space<vmem>> -> memref<16x512xf32, #tpu.memory_space<vmem>>
        %dma_wait3A_358 = arith.constant 0 : i32
        %dma_wait3A_359 = arith.constant 0 : i32
        %dma_wait3A_360 = tpu.memref_slice %arg2[%dma_wait3A_358, %dma_wait3A_359] : memref<416x100000xf32, #tpu.memory_space<hbm>> -> memref<16x512xf32, #tpu.memory_space<hbm>>
        tpu.wait_dma2 semaphore(%arg7 : memref<!tpu.dma_semaphore, #tpu.memory_space<semaphore_mem>>) src(%dma_wait3A_360 : memref<16x512xf32, #tpu.memory_space<hbm>>) dst(%dma_wait3A_357 : memref<16x512xf32, #tpu.memory_space<vmem>>)
      } else {
      }
      %scan3A_348 = arith.constant 0 : i32
      scf.yield %scan3A_348 : i32
    }
    %scan3A_26 = arith.constant 13 : i32
    %dma_wait3A_27 = arith.constant 0 : i32
    %dma_wait3A_28 = arith.constant 0 : i32
    %dma_wait3A_29 = tpu.memref_slice %arg6[%dma_wait3A_27, %dma_wait3A_28] : memref<208x512xf32, #tpu.memory_space<vmem>> -> memref<16x512xf32, #tpu.memory_space<vmem>>
    %dma_wait3A_30 = arith.constant 0 : i32
    %dma_wait3A_31 = arith.constant 0 : i32
    %dma_wait3A_32 = tpu.memref_slice %arg2[%dma_wait3A_30, %dma_wait3A_31] : memref<416x100000xf32, #tpu.memory_space<hbm>> -> memref<16x512xf32, #tpu.memory_space<hbm>>
    %dma_wait3A_33 = arith.constant 0 : i32
    %dma_wait3A_34 = arith.constant 0 : i32
    %dma_wait3A_35 = tpu.memref_slice %arg6[%dma_wait3A_33, %dma_wait3A_34] : memref<208x512xf32, #tpu.memory_space<vmem>> -> memref<16x512xf32, #tpu.memory_space<vmem>>
    %dma_wait3A_36 = arith.constant 0 : i32
    %dma_wait3A_37 = arith.constant 0 : i32
    %dma_wait3A_38 = tpu.memref_slice %arg2[%dma_wait3A_36, %dma_wait3A_37] : memref<416x100000xf32, #tpu.memory_space<hbm>> -> memref<16x512xf32, #tpu.memory_space<hbm>>
    tpu.wait_dma2 semaphore(%arg7 : memref<!tpu.dma_semaphore, #tpu.memory_space<semaphore_mem>>) src(%dma_wait3A_38 : memref<16x512xf32, #tpu.memory_space<hbm>>) dst(%dma_wait3A_35 : memref<16x512xf32, #tpu.memory_space<vmem>>)
    "tpu.region"() ({
      %run_scoped3A = tpu.sem_alloc : memref<!tpu.dma_semaphore, #tpu.memory_space<semaphore_mem>>
      %dma_start3A = arith.constant 208 : i32
      %dma_start3A_39 = tpu.memref_slice %arg4[%dma_start3A, %mul3A_2] : memref<416x16384xf32, #tpu.memory_space<hbm>> -> memref<208x512xf32, #tpu.memory_space<hbm>>
      %dma_start3A_40 = arith.constant 208 : i32
      %dma_start3A_41 = tpu.memref_slice %arg4[%dma_start3A_40, %mul3A_2] : memref<416x16384xf32, #tpu.memory_space<hbm>> -> memref<208x512xf32, #tpu.memory_space<hbm>>
      tpu.enqueue_dma source(%arg6 : memref<208x512xf32, #tpu.memory_space<vmem>>) target(%dma_start3A_41 : memref<208x512xf32, #tpu.memory_space<hbm>>) target_semaphore(%run_scoped3A : memref<!tpu.dma_semaphore, #tpu.memory_space<semaphore_mem>>)
      %dma_wait3A_42 = arith.constant 208 : i32
      %dma_wait3A_43 = tpu.memref_slice %arg4[%dma_wait3A_42, %mul3A_2] : memref<416x16384xf32, #tpu.memory_space<hbm>> -> memref<208x512xf32, #tpu.memory_space<hbm>>
      %dma_wait3A_44 = arith.constant 208 : i32
      %dma_wait3A_45 = tpu.memref_slice %arg4[%dma_wait3A_44, %mul3A_2] : memref<416x16384xf32, #tpu.memory_space<hbm>> -> memref<208x512xf32, #tpu.memory_space<hbm>>
      tpu.wait_dma2 semaphore(%run_scoped3A : memref<!tpu.dma_semaphore, #tpu.memory_space<semaphore_mem>>) src(%arg6 : memref<208x512xf32, #tpu.memory_space<vmem>>) dst(%dma_wait3A_45 : memref<208x512xf32, #tpu.memory_space<hbm>>)
      tpu.yield
    }) : () -> ()
    return
  }
}

module attributes {stable_mosaic.version = 14 : i64} {
  func.func @_dense_t_body(%arg0: i32, %arg1: memref<416x2048xf32, #tpu.memory_space<vmem>>, %arg2: memref<13x2048xf32, #tpu.memory_space<vmem>>, %arg3: memref<3x429xbf16, #tpu.memory_space<vmem>>, %arg4: memref<3x429xf32, #tpu.memory_space<vmem>>, %arg5: memref<256x429xbf16, #tpu.memory_space<vmem>>, %arg6: memref<256x1xf32, #tpu.memory_space<vmem>>, %arg7: memref<128x256xbf16, #tpu.memory_space<vmem>>, %arg8: memref<128x1xf32, #tpu.memory_space<vmem>>, %arg9: memref<64x128xbf16, #tpu.memory_space<vmem>>, %arg10: memref<64x1xf32, #tpu.memory_space<vmem>>, %arg11: memref<1x493xbf16, #tpu.memory_space<vmem>>, %arg12: memref<1x1xf32, #tpu.memory_space<vmem>>, %arg13: memref<1x2048xf32, #tpu.memory_space<vmem>>) attributes {dimension_semantics = [#tpu.dimension_semantics<arbitrary>], iteration_bounds = array<i64: 8>, scalar_prefetch = 0 : i64, scratch_operands = 0 : i64, tpu.core_type = #tpu.core_type<tc>, window_params = [{transform_indices = @transform_0, window_bounds = array<i64: 416, 2048>}, {transform_indices = @transform_1, window_bounds = array<i64: 13, 2048>}, {pipeline_mode = #tpu.pipeline_mode<synchronous>, transform_indices = @transform_2, window_bounds = array<i64: 3, 429>}, {pipeline_mode = #tpu.pipeline_mode<synchronous>, transform_indices = @transform_3, window_bounds = array<i64: 3, 429>}, {pipeline_mode = #tpu.pipeline_mode<synchronous>, transform_indices = @transform_4, window_bounds = array<i64: 256, 429>}, {pipeline_mode = #tpu.pipeline_mode<synchronous>, transform_indices = @transform_5, window_bounds = array<i64: 256, 1>}, {pipeline_mode = #tpu.pipeline_mode<synchronous>, transform_indices = @transform_6, window_bounds = array<i64: 128, 256>}, {pipeline_mode = #tpu.pipeline_mode<synchronous>, transform_indices = @transform_7, window_bounds = array<i64: 128, 1>}, {pipeline_mode = #tpu.pipeline_mode<synchronous>, transform_indices = @transform_8, window_bounds = array<i64: 64, 128>}, {pipeline_mode = #tpu.pipeline_mode<synchronous>, transform_indices = @transform_9, window_bounds = array<i64: 64, 1>}, {pipeline_mode = #tpu.pipeline_mode<synchronous>, transform_indices = @transform_10, window_bounds = array<i64: 1, 493>}, {pipeline_mode = #tpu.pipeline_mode<synchronous>, transform_indices = @transform_11, window_bounds = array<i64: 1, 1>}, {transform_indices = @transform_12, window_bounds = array<i64: 1, 2048>}]} {
    %get3A = arith.constant 0 : index
    %get3A_0 = arith.constant 0 : index
    %get3A_1 = vector.load %arg1[%get3A, %get3A_0] : memref<416x2048xf32, #tpu.memory_space<vmem>>, vector<416x2048xf32>
    %get3A_2 = arith.constant 0 : index
    %get3A_3 = arith.constant 0 : index
    %get3A_4 = vector.load %arg2[%get3A_2, %get3A_3] : memref<13x2048xf32, #tpu.memory_space<vmem>>, vector<13x2048xf32>
    %concatenate3A = tpu.concatenate %get3A_1, %get3A_4 in 0 : vector<416x2048xf32>, vector<13x2048xf32> -> vector<429x2048xf32>
    %convert_element_type3A = arith.truncf %concatenate3A : vector<429x2048xf32> to vector<429x2048xbf16>
    %get3A_5 = arith.constant 0 : index
    %get3A_6 = arith.constant 0 : index
    %get3A_7 = vector.load %arg3[%get3A_5, %get3A_6] : memref<3x429xbf16, #tpu.memory_space<vmem>>, vector<3x429xbf16>
    %slice3A = vector.extract_strided_slice %get3A_7 {offsets = [0, 0], sizes = [1, 429], strides = [1, 1]} : vector<3x429xbf16> to vector<1x429xbf16>
    %convert_element_type3A_8 = arith.truncf %concatenate3A : vector<429x2048xf32> to vector<429x2048xbf16>
    %dot_general3A = arith.constant dense<0.000000e+00> : vector<1x2048xf32>
    %dot_general3A_9 = tpu.matmul %slice3A, %convert_element_type3A_8, %dot_general3A {dimension_numbers = #tpu.dot_dimension_numbers<[1], [0], [0], [1], [0, 0, 1, 1], [], []>, transpose_lhs_hint = false} : vector<1x429xbf16>, vector<429x2048xbf16>, vector<1x2048xf32> -> vector<1x2048xf32>
    %mul3A = vector.broadcast %dot_general3A_9 : vector<1x2048xf32> to vector<429x2048xf32>
    %mul3A_10 = arith.mulf %concatenate3A, %mul3A : vector<429x2048xf32>
    %get3A_11 = arith.constant 0 : index
    %get3A_12 = arith.constant 0 : index
    %get3A_13 = vector.load %arg4[%get3A_11, %get3A_12] : memref<3x429xf32, #tpu.memory_space<vmem>>, vector<1x429xf32>
    %get3A_14 = vector.shape_cast %get3A_13 : vector<1x429xf32> to vector<429xf32>
    %broadcast_in_dim3A = vector.shape_cast %get3A_14 : vector<429xf32> to vector<429x1xf32>
    %add3A = vector.broadcast %broadcast_in_dim3A : vector<429x1xf32> to vector<429x2048xf32>
    %add3A_15 = arith.addf %mul3A_10, %add3A : vector<429x2048xf32>
    %add3A_16 = arith.addf %add3A_15, %concatenate3A : vector<429x2048xf32>
    %slice3A_17 = vector.extract_strided_slice %get3A_7 {offsets = [1, 0], sizes = [1, 429], strides = [1, 1]} : vector<3x429xbf16> to vector<1x429xbf16>
    %convert_element_type3A_18 = arith.truncf %add3A_16 : vector<429x2048xf32> to vector<429x2048xbf16>
    %dot_general3A_19 = arith.constant dense<0.000000e+00> : vector<1x2048xf32>
    %dot_general3A_20 = tpu.matmul %slice3A_17, %convert_element_type3A_18, %dot_general3A_19 {dimension_numbers = #tpu.dot_dimension_numbers<[1], [0], [0], [1], [0, 0, 1, 1], [], []>, transpose_lhs_hint = false} : vector<1x429xbf16>, vector<429x2048xbf16>, vector<1x2048xf32> -> vector<1x2048xf32>
    %mul3A_21 = vector.broadcast %dot_general3A_20 : vector<1x2048xf32> to vector<429x2048xf32>
    %mul3A_22 = arith.mulf %concatenate3A, %mul3A_21 : vector<429x2048xf32>
    %get3A_23 = arith.constant 1 : index
    %get3A_24 = arith.constant 0 : index
    %get3A_25 = vector.load %arg4[%get3A_23, %get3A_24] : memref<3x429xf32, #tpu.memory_space<vmem>>, vector<1x429xf32>
    %get3A_26 = vector.shape_cast %get3A_25 : vector<1x429xf32> to vector<429xf32>
    %broadcast_in_dim3A_27 = vector.shape_cast %get3A_26 : vector<429xf32> to vector<429x1xf32>
    %add3A_28 = vector.broadcast %broadcast_in_dim3A_27 : vector<429x1xf32> to vector<429x2048xf32>
    %add3A_29 = arith.addf %mul3A_22, %add3A_28 : vector<429x2048xf32>
    %add3A_30 = arith.addf %add3A_29, %add3A_16 : vector<429x2048xf32>
    %slice3A_31 = vector.extract_strided_slice %get3A_7 {offsets = [2, 0], sizes = [1, 429], strides = [1, 1]} : vector<3x429xbf16> to vector<1x429xbf16>
    %convert_element_type3A_32 = arith.truncf %add3A_30 : vector<429x2048xf32> to vector<429x2048xbf16>
    %dot_general3A_33 = arith.constant dense<0.000000e+00> : vector<1x2048xf32>
    %dot_general3A_34 = tpu.matmul %slice3A_31, %convert_element_type3A_32, %dot_general3A_33 {dimension_numbers = #tpu.dot_dimension_numbers<[1], [0], [0], [1], [0, 0, 1, 1], [], []>, transpose_lhs_hint = false} : vector<1x429xbf16>, vector<429x2048xbf16>, vector<1x2048xf32> -> vector<1x2048xf32>
    %mul3A_35 = vector.broadcast %dot_general3A_34 : vector<1x2048xf32> to vector<429x2048xf32>
    %mul3A_36 = arith.mulf %concatenate3A, %mul3A_35 : vector<429x2048xf32>
    %get3A_37 = arith.constant 2 : index
    %get3A_38 = arith.constant 0 : index
    %get3A_39 = vector.load %arg4[%get3A_37, %get3A_38] : memref<3x429xf32, #tpu.memory_space<vmem>>, vector<1x429xf32>
    %get3A_40 = vector.shape_cast %get3A_39 : vector<1x429xf32> to vector<429xf32>
    %broadcast_in_dim3A_41 = vector.shape_cast %get3A_40 : vector<429xf32> to vector<429x1xf32>
    %add3A_42 = vector.broadcast %broadcast_in_dim3A_41 : vector<429x1xf32> to vector<429x2048xf32>
    %add3A_43 = arith.addf %mul3A_36, %add3A_42 : vector<429x2048xf32>
    %add3A_44 = arith.addf %add3A_43, %add3A_30 : vector<429x2048xf32>
    %get3A_45 = arith.constant 0 : index
    %get3A_46 = arith.constant 0 : index
    %get3A_47 = vector.load %arg5[%get3A_45, %get3A_46] : memref<256x429xbf16, #tpu.memory_space<vmem>>, vector<256x429xbf16>
    %dot_general3A_48 = arith.constant dense<0.000000e+00> : vector<256x2048xf32>
    %dot_general3A_49 = tpu.matmul %get3A_47, %convert_element_type3A, %dot_general3A_48 {dimension_numbers = #tpu.dot_dimension_numbers<[1], [0], [0], [1], [0, 0, 1, 1], [], []>, transpose_lhs_hint = false} : vector<256x429xbf16>, vector<429x2048xbf16>, vector<256x2048xf32> -> vector<256x2048xf32>
    %get3A_50 = arith.constant 0 : index
    %get3A_51 = arith.constant 0 : index
    %get3A_52 = vector.load %arg6[%get3A_50, %get3A_51] : memref<256x1xf32, #tpu.memory_space<vmem>>, vector<256x1xf32>
    %add3A_53 = vector.broadcast %get3A_52 : vector<256x1xf32> to vector<256x2048xf32>
    %add3A_54 = arith.addf %dot_general3A_49, %add3A_53 : vector<256x2048xf32>
    %max3A = arith.constant 0.000000e+00 : f32
    %max3A_55 = vector.broadcast %max3A : f32 to vector<256x2048xf32>
    %max3A_56 = arith.maximumf %add3A_54, %max3A_55 : vector<256x2048xf32>
    %convert_element_type3A_57 = arith.truncf %max3A_56 : vector<256x2048xf32> to vector<256x2048xbf16>
    %get3A_58 = arith.constant 0 : index
    %get3A_59 = arith.constant 0 : index
    %get3A_60 = vector.load %arg7[%get3A_58, %get3A_59] : memref<128x256xbf16, #tpu.memory_space<vmem>>, vector<128x256xbf16>
    %dot_general3A_61 = arith.constant dense<0.000000e+00> : vector<128x2048xf32>
    %dot_general3A_62 = tpu.matmul %get3A_60, %convert_element_type3A_57, %dot_general3A_61 {dimension_numbers = #tpu.dot_dimension_numbers<[1], [0], [0], [1], [0, 0, 1, 1], [], []>, transpose_lhs_hint = false} : vector<128x256xbf16>, vector<256x2048xbf16>, vector<128x2048xf32> -> vector<128x2048xf32>
    %get3A_63 = arith.constant 0 : index
    %get3A_64 = arith.constant 0 : index
    %get3A_65 = vector.load %arg8[%get3A_63, %get3A_64] : memref<128x1xf32, #tpu.memory_space<vmem>>, vector<128x1xf32>
    %add3A_66 = vector.broadcast %get3A_65 : vector<128x1xf32> to vector<128x2048xf32>
    %add3A_67 = arith.addf %dot_general3A_62, %add3A_66 : vector<128x2048xf32>
    %max3A_68 = arith.constant 0.000000e+00 : f32
    %max3A_69 = vector.broadcast %max3A_68 : f32 to vector<128x2048xf32>
    %max3A_70 = arith.maximumf %add3A_67, %max3A_69 : vector<128x2048xf32>
    %convert_element_type3A_71 = arith.truncf %max3A_70 : vector<128x2048xf32> to vector<128x2048xbf16>
    %get3A_72 = arith.constant 0 : index
    %get3A_73 = arith.constant 0 : index
    %get3A_74 = vector.load %arg9[%get3A_72, %get3A_73] : memref<64x128xbf16, #tpu.memory_space<vmem>>, vector<64x128xbf16>
    %dot_general3A_75 = arith.constant dense<0.000000e+00> : vector<64x2048xf32>
    %dot_general3A_76 = tpu.matmul %get3A_74, %convert_element_type3A_71, %dot_general3A_75 {dimension_numbers = #tpu.dot_dimension_numbers<[1], [0], [0], [1], [0, 0, 1, 1], [], []>, transpose_lhs_hint = false} : vector<64x128xbf16>, vector<128x2048xbf16>, vector<64x2048xf32> -> vector<64x2048xf32>
    %get3A_77 = arith.constant 0 : index
    %get3A_78 = arith.constant 0 : index
    %get3A_79 = vector.load %arg10[%get3A_77, %get3A_78] : memref<64x1xf32, #tpu.memory_space<vmem>>, vector<64x1xf32>
    %add3A_80 = vector.broadcast %get3A_79 : vector<64x1xf32> to vector<64x2048xf32>
    %add3A_81 = arith.addf %dot_general3A_76, %add3A_80 : vector<64x2048xf32>
    %max3A_82 = arith.constant 0.000000e+00 : f32
    %max3A_83 = vector.broadcast %max3A_82 : f32 to vector<64x2048xf32>
    %max3A_84 = arith.maximumf %add3A_81, %max3A_83 : vector<64x2048xf32>
    %convert_element_type3A_85 = arith.truncf %max3A_84 : vector<64x2048xf32> to vector<64x2048xbf16>
    %convert_element_type3A_86 = arith.truncf %add3A_44 : vector<429x2048xf32> to vector<429x2048xbf16>
    %concatenate3A_87 = tpu.concatenate %convert_element_type3A_86, %convert_element_type3A_85 in 0 : vector<429x2048xbf16>, vector<64x2048xbf16> -> vector<493x2048xbf16>
    %get3A_88 = arith.constant 0 : index
    %get3A_89 = arith.constant 0 : index
    %get3A_90 = vector.load %arg11[%get3A_88, %get3A_89] : memref<1x493xbf16, #tpu.memory_space<vmem>>, vector<1x493xbf16>
    %dot_general3A_91 = arith.constant dense<0.000000e+00> : vector<1x2048xf32>
    %dot_general3A_92 = tpu.matmul %get3A_90, %concatenate3A_87, %dot_general3A_91 {dimension_numbers = #tpu.dot_dimension_numbers<[1], [0], [0], [1], [0, 0, 1, 1], [], []>, transpose_lhs_hint = false} : vector<1x493xbf16>, vector<493x2048xbf16>, vector<1x2048xf32> -> vector<1x2048xf32>
    %get3A_93 = arith.constant 0 : index
    %get3A_94 = arith.constant 0 : index
    %get3A_95 = vector.load %arg12[%get3A_93, %get3A_94] : memref<1x1xf32, #tpu.memory_space<vmem>>, vector<1x1xf32>
    %add3A_96 = vector.broadcast %get3A_95 : vector<1x1xf32> to vector<1x2048xf32>
    %add3A_97 = arith.addf %dot_general3A_92, %add3A_96 : vector<1x2048xf32>
    %logistic3A = arith.negf %add3A_97 : vector<1x2048xf32>
    %logistic3A_98 = math.exp %logistic3A : vector<1x2048xf32>
    %logistic3A_99 = arith.constant 1.000000e+00 : f32
    %logistic3A_100 = vector.broadcast %logistic3A_99 : f32 to vector<1x2048xf32>
    %logistic3A_101 = arith.addf %logistic3A_100, %logistic3A_98 : vector<1x2048xf32>
    %logistic3A_102 = arith.divf %logistic3A_100, %logistic3A_101 : vector<1x2048xf32>
    %swap3A = arith.constant 0 : index
    %swap3A_103 = arith.constant 0 : index
    %swap3A_104 = vector.load %arg13[%swap3A, %swap3A_103] : memref<1x2048xf32, #tpu.memory_space<vmem>>, vector<1x2048xf32>
    tpu.vector_store %arg13[%swap3A, %swap3A_103], %logistic3A_102 {strides = array<i32>} : memref<1x2048xf32, #tpu.memory_space<vmem>>, vector<1x2048xf32>,
    return
  }
  func.func @transform_0(%arg0: i32) -> (i32, i32) {
    %c0_i32 = arith.constant 0 : i32
    %c0_i32_0 = arith.constant 0 : i32
    return %c0_i32, %arg0 : i32, i32
  }
  func.func @transform_1(%arg0: i32) -> (i32, i32) {
    %c0_i32 = arith.constant 0 : i32
    %c0_i32_0 = arith.constant 0 : i32
    return %c0_i32, %arg0 : i32, i32
  }
  func.func @transform_2(%arg0: i32) -> (i32, i32) {
    %c0_i32 = arith.constant 0 : i32
    %c0_i32_0 = arith.constant 0 : i32
    %c0_i32_1 = arith.constant 0 : i32
    return %c0_i32, %c0_i32_0 : i32, i32
  }
  func.func @transform_3(%arg0: i32) -> (i32, i32) {
    %c0_i32 = arith.constant 0 : i32
    %c0_i32_0 = arith.constant 0 : i32
    %c0_i32_1 = arith.constant 0 : i32
    return %c0_i32, %c0_i32_0 : i32, i32
  }
  func.func @transform_4(%arg0: i32) -> (i32, i32) {
    %c0_i32 = arith.constant 0 : i32
    %c0_i32_0 = arith.constant 0 : i32
    %c0_i32_1 = arith.constant 0 : i32
    return %c0_i32, %c0_i32_0 : i32, i32
  }
  func.func @transform_5(%arg0: i32) -> (i32, i32) {
    %c0_i32 = arith.constant 0 : i32
    %c0_i32_0 = arith.constant 0 : i32
    %c0_i32_1 = arith.constant 0 : i32
    return %c0_i32, %c0_i32_0 : i32, i32
  }
  func.func @transform_6(%arg0: i32) -> (i32, i32) {
    %c0_i32 = arith.constant 0 : i32
    %c0_i32_0 = arith.constant 0 : i32
    %c0_i32_1 = arith.constant 0 : i32
    return %c0_i32, %c0_i32_0 : i32, i32
  }
  func.func @transform_7(%arg0: i32) -> (i32, i32) {
    %c0_i32 = arith.constant 0 : i32
    %c0_i32_0 = arith.constant 0 : i32
    %c0_i32_1 = arith.constant 0 : i32
    return %c0_i32, %c0_i32_0 : i32, i32
  }
  func.func @transform_8(%arg0: i32) -> (i32, i32) {
    %c0_i32 = arith.constant 0 : i32
    %c0_i32_0 = arith.constant 0 : i32
    %c0_i32_1 = arith.constant 0 : i32
    return %c0_i32, %c0_i32_0 : i32, i32
  }
  func.func @transform_9(%arg0: i32) -> (i32, i32) {
    %c0_i32 = arith.constant 0 : i32
    %c0_i32_0 = arith.constant 0 : i32
    %c0_i32_1 = arith.constant 0 : i32
    return %c0_i32, %c0_i32_0 : i32, i32
  }
  func.func @transform_10(%arg0: i32) -> (i32, i32) {
    %c0_i32 = arith.constant 0 : i32
    %c0_i32_0 = arith.constant 0 : i32
    %c0_i32_1 = arith.constant 0 : i32
    return %c0_i32, %c0_i32_0 : i32, i32
  }
  func.func @transform_11(%arg0: i32) -> (i32, i32) {
    %c0_i32 = arith.constant 0 : i32
    %c0_i32_0 = arith.constant 0 : i32
    %c0_i32_1 = arith.constant 0 : i32
    return %c0_i32, %c0_i32_0 : i32, i32
  }
  func.func @transform_12(%arg0: i32) -> (i32, i32) {
    %c0_i32 = arith.constant 0 : i32
    %c0_i32_0 = arith.constant 0 : i32
    return %c0_i32, %arg0 : i32, i32
  }
}

</mosaic_0001>

<sc_bundles>
// kernel: kernel.4.cloned.1.call-start
scs
__scs_entry_jumppad:
0x0: {  	(pc) =	sbr.rel $0x88, $3  }
0x1: {  	(tag) =	ssettag $0x0;
	lr =	simm.s32 $0x1  }
0x2: {  	[smem:$0x3F95] =	sst lr;
	_ =	strace $0xD0000000  }
0x3: {  	_ = 	snop  }
0x4: {  	_ = 	snop  }
0x5: {  	_ = 	snop  }
0x6: {  	_ = 	snop  }
0x7: {  	_ = 	snop  }
__scs_overlays_trampoline_lowered:
0x8: {  	[smem:$0x3FA4] =	sst s0  }
0x9: {  	[smem:$0x3FA5] =	sst s1  }
0xa: {  	[smem:$0x3FA6] =	sst s2  }
0xb: {  	[smem:$0x3FA7] =	sst s3  }
0xc: {  	[smem:$0x3FA8] =	sst s4  }
0xd: {  	[smem:$0x3FA9] =	sst s5  }
0xe: {  	[smem:$0x3FAA] =	sst s6  }
0xf: {  	[smem:$0x3FAB] =	sst s7  }
0x10: {  	[smem:$0x3FAC] =	sst s8  }
0x11: {  	[smem:$0x3FAD] =	sst s9;
	s0 =	simm.s32 @!p0 $0x0  }
0x12: {  	s1 =	sld [smem:$0x3F93];
	s0 =	simm.s32 @p0 $0x1  }
0x13: {  	[smem:$0x3FAE] =	sst s0;
	s0 =	simm.s32 @!p1 $0x0  }
0x14: {  	s2 =	sld [smem:$0x3F92];
	s0 =	simm.s32 @p1 $0x1  }
0x15: {  	[smem:$0x3FAF] =	sst s0;
	s0 =	simm.s32 @!p2 $0x0  }
0x16: {  	s3 =	sld [smem:$0x3FDB];
	s0 =	simm.s32 @p2 $0x1  }
0x17: {  	s4 =	simm.s32 $0x1BF5;
	[smem:$0x3FB1] =	sst s0  }
0x18: {  	s0 =	sld [smem:$0x3F94];
	_ =	swait.ge [sflag:s4], $0x0  }
0x19: {  	s7 =	sld [smem:$0x3F95]  }
0x1a: {  	s8 =	sadd.s32 $0xFFFFE003, lr  }
0x1b: {  	s9 =	sadd.s32 $0xFFFFFEF7, lr;
	s5 =	simm.s32 $0xFFFFFFFF;
	p2 =	slt.u32 s8, $0xFFFFF086  }
0x1c: {  	p1 =	slt.u32 s9, $0xF7A;
	s5 =	simm.s32 @!p2 $0x0  }
0x1d: {  	s5 =	simm.s32 @p1 $0x1;
	p0 =	seq.s32 s7, s2  }
0x1e: {  	s7 =	smul.u32 @!p0 $0xF7A, s2;
	p2 =	seq.s32 @!p0 s5, $0x0  }
0x1f: {  	s9 =	smul.u32 $0xF7A, s1;
	s8 =	simm.s32 @!p0 $0x1BF5;
	p2 =	por !p2, p0  }
0x20: {  	[sflag:s8] =	ssyncset.s32 @!p0 $0xFFFFF086;
	s6 =	sadd.s32 @!p0 s3, s7;
	s7 =	simm.s32 @!p0 $0x108  }
0x21: {  	s3 =	sadd.s32 s3, s9;
	s6 =	sadd.s32 @!p0 $0x88, s6;
	s7 =	simm.s32 @p2 $0x1082  }
0x22: {  	[simem:s7], [sflag:s8] =	dma.local @!p0 [hbm:s6], $0xF7A  }
0x23: {  	s9 =	sor.u32 $0xD0000000, s2;
	s6 =	simm.s32 $0x108;
	_ =	swait.ge @!p0 [sflag:s8], $0x0  }
0x24: {  	s3 =	sadd.s32 $0x88, s3;
	s6 =	simm.s32 @!p1 $0x1082;
	[sflag:s4] =	ssyncset.s32 $0xFFFFF086  }
0x25: {  	[simem:s6], [sflag:s4] =	dma.local [hbm:s3], $0xF7A  }
0x26: {  	[smem:$0x3F95] =	sst s1;
	(tag) =	ssettag s2;
	_ =	strace s9  }
0x27: {  	s1 =	sld [smem:$0x3FA5]  }
0x28: {  	s2 =	sld [smem:$0x3FA6]  }
0x29: {  	s4 =	sld [smem:$0x3FA8]  }
0x2a: {  	p0 =	seq.s32 s5, $0x0;
	s5 =	sld [smem:$0x3FA9]  }
0x2b: {  	s6 =	sld [smem:$0x3FAA]  }
0x2c: {  	s7 =	sld [smem:$0x3FAB]  }
0x2d: {  	s3 =	simm.s32 $0x108;
	s8 =	sld [smem:$0x3FAC]  }
0x2e: {  	s3 =	simm.s32 @!p0 $0x1082;
	s9 =	sld [smem:$0x3FAD]  }
0x2f: {  	lr =	sadd.s32 s0, s3;
	s0 =	sld [smem:$0x3FA4]  }
0x30: {  	s3 =	sld [smem:$0x3FA7]  }
0x31: {  	[smem:$0x3FB0] =	sst s10  }
0x32: {  	s10 =	sld [smem:$0x3FAE];
	_ =	sdelay $0x3  }
0x33: {  	p0 =	seq.s32 s10, $0x1;
	s10 =	sld [smem:$0x3FB0];
	_ =	sdelay $0x3  }
0x34: {  	[smem:$0x3FB0] =	sst s10  }
0x35: {  	s10 =	sld [smem:$0x3FAF];
	_ =	sdelay $0x3  }
0x36: {  	p1 =	seq.s32 s10, $0x1;
	s10 =	sld [smem:$0x3FB0];
	_ =	sdelay $0x3  }
0x37: {  	[smem:$0x3FB0] =	sst s10  }
0x38: {  	s10 =	sld [smem:$0x3FB1]  }
0x39: {  	_ = 	snop;
	(pc) =	sbr.ind lr, $3  }
0x3a: {  	_ = 	snop  }
0x3b: {  	_ = 	snop  }
0x3c: {  	p2 =	seq.s32 s10, $0x1;
	s10 =	sld [smem:$0x3FB0]  }
0x3d: {  	_ =	shalt  }
0x3e: {  	_ =	shalt  }
0x3f: {  	_ =	shalt  }
0x40: {  	_ =	shalt  }
0x41: {  	_ =	shalt  }
0x42: {  	_ =	shalt  }
0x43: {  	_ =	shalt  }
0x44: {  	_ =	shalt  }
0x45: {  	_ =	shalt  }
0x46: {  	_ =	shalt  }
0x47: {  	_ =	shalt  }
0x48: {  	_ =	shalt  }
0x49: {  	_ =	shalt  }
0x4a: {  	_ =	shalt  }
0x4b: {  	_ =	shalt  }
0x4c: {  	_ =	shalt  }
0x4d: {  	_ =	shalt  }
0x4e: {  	_ =	shalt  }
0x4f: {  	_ =	shalt  }
0x50: {  	_ =	shalt  }
0x51: {  	_ =	shalt  }
0x52: {  	_ =	shalt  }
0x53: {  	_ =	shalt  }
0x54: {  	_ =	shalt  }
0x55: {  	_ =	shalt  }
0x56: {  	_ =	shalt  }
0x57: {  	_ =	shalt  }
0x58: {  	_ =	shalt  }
0x59: {  	_ =	shalt  }
0x5a: {  	_ =	shalt  }
0x5b: {  	_ =	shalt  }
0x5c: {  	_ =	shalt  }
0x5d: {  	_ =	shalt  }
0x5e: {  	_ =	shalt  }
0x5f: {  	_ =	shalt  }
0x60: {  	_ =	shalt  }
0x61: {  	_ =	shalt  }
0x62: {  	_ =	shalt  }
0x63: {  	_ =	shalt  }
0x64: {  	_ =	shalt  }
0x65: {  	_ =	shalt  }
0x66: {  	_ =	shalt  }
0x67: {  	_ =	shalt  }
0x68: {  	_ =	shalt  }
0x69: {  	_ =	shalt  }
0x6a: {  	_ =	shalt  }
0x6b: {  	_ =	shalt  }
0x6c: {  	_ =	shalt  }
0x6d: {  	_ =	shalt  }
0x6e: {  	_ =	shalt  }
0x6f: {  	_ =	shalt  }
0x70: {  	_ =	shalt  }
0x71: {  	_ =	shalt  }
0x72: {  	_ =	shalt  }
0x73: {  	_ =	shalt  }
0x74: {  	_ =	shalt  }
0x75: {  	_ =	shalt  }
0x76: {  	_ =	shalt  }
0x77: {  	_ =	shalt  }
0x78: {  	_ =	shalt  }
0x79: {  	_ =	shalt  }
0x7a: {  	_ =	shalt  }
0x7b: {  	_ =	shalt  }
0x7c: {  	_ =	shalt  }
0x7d: {  	_ =	shalt  }
0x7e: {  	_ =	shalt  }
0x7f: {  	_ =	shalt  }
0x80: {  	_ =	shalt  }
0x81: {  	_ =	shalt  }
0x82: {  	_ =	shalt  }
0x83: {  	_ =	shalt  }
0x84: {  	_ =	shalt  }
0x85: {  	_ =	shalt  }
0x86: {  	_ =	shalt  }
0x87: {  	_ =	shalt  }
.Lfunc_end0:
.L_simem_size_0:
called_computation_lowered:
.L_overlay_start_0:
0x88: {  	s2 =	sld [smem:$0x3FD9]  }
0x89: {  	s3 =	sld [smem:$0x3FFE];
	_ =	sdelay $0x1  }
0x8a: {  	s1 =	srdreg.scid  }
0x8b: {  	s0 =	sand.u32 $0x1, s1  }
0x8c: {  	s16 =	sshll.u32 s0, $0xA;
	s2 =	sadd.s32 s3, s2  }
0x8d: {  	s2 =	sadd.s32 s2, s16  }
0x8e: {  	[smem:$0x3FBC] =	sst s2  }
0x8f: {  	_ = 	snop  }
0x90: {  	(tm) =	ssettm $0x1  }
0x91: {  	s17 =	sld [smem:$0x3FFB];
	_ =	sdelay $0x3  }
0x92: {  	_ =	strace s17  }
0x93: {  	s2 =	sld [smem:$0x3FFC];
	_ =	sdelay $0x3  }
0x94: {  	_ =	strace s2  }
0x95: {  	s2 =	sld [smem:$0x3FFD];
	_ =	sdelay $0x3  }
0x96: {  	_ =	strace s2  }
0x97: {  	_ =	strace $0x8FFFFFFF  }
0x98: {  	s18 =	sld [smem:$0x3FDB];
	_ =	sdelay $0x1  }
0x99: {  	s19 =	simm.s32 $_scs_section_size  }
0x9a: {  	s4 =	simm.s32 $_size__tile_overlayer_lowered;
	s5 =	simm.s32 $_tile_overlayer_lowered  }
0x9b: {  	s22 =	simm.s32 $0x1BFF;
	s21 =	sshll.u32 s5, $0x1;
	s2 =	sadd.s32 s19, s18  }
0x9c: {  	s6 =	simm.s32 $0x0;
	s20 =	sshll.u32 s4, $0x1;
	s4 =	sadd.s32 s21, s2  }
0x9d: {  	[timem:s6], [sflag:s22] =	dma.local [hbm:s4], s20  }
0x9e: {  	_ =	swait.ge [sflag:s22], s20  }
0x9f: {  	s3 =	ssub.s32 $0x0, s20;
	[sflag:s22] =	ssyncset.done $0x0  }
0xa0: {  	[sflag:s22] =	ssyncadd.s32 s3;
	_ =	sdelay $0x1  }
0xa1: {  	s23 =	simm.s32 $0x1B8B  }
0xa2: {  	_ =	swait.ge [sflag:s23], $0x1  }
0xa3: {  	[sflag:s23] =	ssyncset.done $0x0  }
0xa4: {  	s25 =	simm.s32 $0x1B8E;
	s24 =	sld [smem:$0x3FFE];
	[sflag:s23] =	ssyncadd.s32 $0xFFFFFFFF  }
0xa5: {  	s26 =	simm.s32 $execute0_lowered;
	[smem:$0x3FD2] =	sst s25  }
0xa6: {  	s4 =	sshll.u32 s26, $0x1;
	_ =	strace $0x80000046;
	[dreg:$0x1] =	wrdreg $0xFFFFFFFF  }
0xa7: {  	s28 =	simm.s32 $_size_execute0_lowered;
	s2 =	sadd.s32 s2, s4;
	[dreg:$0x0] =	wrdreg $0x0  }
0xa8: {  	s4 =	sshll.u32 s28, $0x1;
	[dreg:$0x2] =	wrdreg s2  }
0xa9: {  	[dreg:$0x3] =	wrdreg s4  }
0xaa: {  	[dreg:$0x4] =	wrdreg $0xC0  }
0xab: {  	_ =	task [dreg:s6], $0x5FFFF  }
0xac: {  	[dreg:$0x1] =	wrdreg $0xFFFFFFFF  }
0xad: {  	[dreg:$0x0] =	wrdreg $0x60  }
0xae: {  	[dreg:$0x2] =	wrdreg s24  }
0xaf: {  	[dreg:$0x3] =	wrdreg $0x9  }
0xb0: {  	_ =	task.clear_ibuf [dreg:s6], $0x4FFFF;
	_ =	strace $0x90000046  }
0xb1: {  	s29 =	simm.s32 $0x9;
	_ =	strace $0x80000048  }
0xb2: {  	_ =	swait.ge [sflag:s29], $0x1  }
0xb3: {  	[sflag:s29] =	ssyncadd.s32 $0xFFFFFFFF  }
0xb4: {  	_ =	strace $0x90000048  }
0xb5: {  	_ =	sfence  }
0xb6: {  	s30 =	sld [smem:$0x0];
	_ =	sdelay $0x2  }
0xb7: {  	s31 =	sshll.u32 s1, $0xD;
	s1 =	sshrl.u32 s1, $0x2  }
0xb8: {  	s3 =	sand.u32 $0x4000, s31;
	s1 =	sadd.s32 s1, s30  }
0xb9: {  	s0 =	sor.u32 s3, s0;
	s1 =	sshll.u32 s1, $0x11  }
0xba: {  	s0 =	sor.u32 s1, s0  }
0xbb: {  	s0 =	sadd.s32 $0x8F2B, s0  }
0xbc: {  	[sflag:s0] =	ssyncadd.remote.s32 $0x1  }
0xbd: {  	_ =	sfence.sel $0xFFFF  }
0xbe: {  	[dreg:$0x0] =	wrdreg $0xFFFFFFFF;
	(pc) =	sbr.abs _section_cstart, $3  }
0xbf: {  	[dreg:$0x1] =	wrdreg $0xFFFFFFFF  }
0xc0: {  	_ =	task.clear_ibuf [dreg:s6], $0x2FFFF;
	_ =	strace $0x9FFFFFFF  }
0xc1: {  	(tm) =	ssettm $0x7FFFFFFF  }
tec
execute0_lowered:
.L_overlay_start_1:
0x0: {  	(tag) =	ssettag $0x1  }
0x1: {  	s8 =	rddreg [dreg:$0x0]  }
0x2: {  	s0 =	rddreg [dreg:$0x1];
	s3 =	srdreg.scid  }
0x3: {  	s2 =	simm.s32 $0x0;
	s1 =	stileid.u32;
	s9 =	simm.s32 $0x200  }
0x4: {  	s10 =	simm.s32 $0x4000;
	s11 =	simm.s32 $0x2;
	s12 =	simm.s32 $0x1  }
0x5: {  	s13 =	simm.s32 $0x3400;
	s14 =	simm.s32 $0x0;
	s3 =	sand.u32 $0x1, s3  }
0x6: {  	s4 =	sshll.u32 s1, $0x7;
	s5 =	sshll.u32 s3, $0x6;
	s3 =	ssub.s32 $0x2, s3  }
0x7: {  	[smem:$0x7FF] =	sst s2;
	s4 =	sor.u32 s5, s4;
	s31 =	sshrl.u32 s3, $0x1  }
0x8: {  	_ =	strace $0x80000047;
	s6 =	sadd.s32 s4, s8;
	s7 =	ssub.s32 s3, s31  }
0x9: {  	s3 =	sadd.s32 $0x1600, s6;
	s4 =	sadd.s32 $0x504000, s6;
	s5 =	sadd.s32 $0x56C000, s6  }
0xa: {  	s6 =	smax.u32 s7, $0x1;
	s7 =	sadd.s32 $0x3C26C, s8;
	s8 =	sadd.s32 $0x289240, s8  }
.LBB2_1:
0xb: {  	[tilespmem:s2], [sflag:$0x2] =	stream.strided.gather [hbm4b:s3+s9], $0x3400, s10, s9, $0x38;
	[tilespmem:$0x1D400] =	vst v63  }
0xc: {  	_ =	swait.ge [sflag:s11], $0x3400  }
0xd: {  	[sflag:s11] =	ssyncset.done $0x0  }
0xe: {  	s15 =	simm.s32 $0x3400;
	s16 =	sadd.s32 $0xFFFD2394, s7;
	[sflag:s11] =	ssyncadd.s32 $0xFFFFCC00  }
0xf: {  	[tilespmem:s15], [sflag:$0x1] =	stream.indirect.gather [hbm4b:s16+s9], $0x1, s2, s9, $0xb8;
	[tilespmem:$0x1D400] =	vst v63  }
0x10: {  	s17 =	simm.s32 $0x3600;
	s18 =	sadd.s32 $0xFFFD5468, s7  }
0x11: {  	[tilespmem:s17], [sflag:$0x1] =	stream.indirect.gather [hbm4b:s18+s9], $0x1, s2, s9, $0xb8;
	[tilespmem:$0x1D400] =	vst v63  }
0x12: {  	s19 =	simm.s32 $0x3800;
	s20 =	sadd.s32 $0xFFFD853C, s7  }
0x13: {  	[tilespmem:s19], [sflag:$0x1] =	stream.indirect.gather [hbm4b:s20+s9], $0x1, s2, s9, $0xb8;
	[tilespmem:$0x1D400] =	vst v63  }
0x14: {  	s21 =	simm.s32 $0x3A00;
	s22 =	sadd.s32 $0xFFFDB610, s7  }
0x15: {  	[tilespmem:s21], [sflag:$0x1] =	stream.indirect.gather [hbm4b:s22+s9], $0x1, s2, s9, $0xb8;
	[tilespmem:$0x1D400] =	vst v63  }
0x16: {  	s23 =	simm.s32 $0x3C00;
	s24 =	sadd.s32 $0xFFFDE6E4, s7  }
0x17: {  	[tilespmem:s23], [sflag:$0x1] =	stream.indirect.gather [hbm4b:s24+s9], $0x1, s2, s9, $0xb8;
	[tilespmem:$0x1D400] =	vst v63  }
0x18: {  	s25 =	simm.s32 $0x3E00;
	s26 =	sadd.s32 $0xFFFE17B8, s7  }
0x19: {  	[tilespmem:s25], [sflag:$0x1] =	stream.indirect.gather [hbm4b:s26+s9], $0x1, s2, s9, $0xb8;
	[tilespmem:$0x1D400] =	vst v63  }
0x1a: {  	s28 =	simm.s32 $0x4000;
	s29 =	sadd.s32 $0xFFFE488C, s7  }
0x1b: {  	[tilespmem:s28], [sflag:$0x1] =	stream.indirect.gather [hbm4b:s29+s9], $0x1, s2, s9, $0xb8;
	[tilespmem:$0x1D400] =	vst v63  }
0x1c: {  	s30 =	simm.s32 $0x4200;
	s31 =	sadd.s32 $0xFFFE7960, s7  }
0x1d: {  	[tilespmem:s30], [sflag:$0x1] =	stream.indirect.gather [hbm4b:s31+s9], $0x1, s2, s9, $0xb8;
	[tilespmem:$0x1D400] =	vst v63  }
0x1e: {  	s16 =	simm.s32 $0x4400;
	s17 =	sadd.s32 $0xFFFEAA34, s7  }
0x1f: {  	[tilespmem:s16], [sflag:$0x1] =	stream.indirect.gather [hbm4b:s17+s9], $0x1, s2, s9, $0xb8;
	[tilespmem:$0x1D400] =	vst v63  }
0x20: {  	s18 =	simm.s32 $0x4600;
	s19 =	sadd.s32 $0xFFFEDB08, s7  }
0x21: {  	[tilespmem:s18], [sflag:$0x1] =	stream.indirect.gather [hbm4b:s19+s9], $0x1, s2, s9, $0xb8;
	[tilespmem:$0x1D400] =	vst v63  }
0x22: {  	s20 =	simm.s32 $0x4800;
	s21 =	sadd.s32 $0xFFFF0BDC, s7  }
0x23: {  	[tilespmem:s20], [sflag:$0x1] =	stream.indirect.gather [hbm4b:s21+s9], $0x1, s2, s9, $0xb8;
	[tilespmem:$0x1D400] =	vst v63  }
0x24: {  	s22 =	simm.s32 $0x4A00;
	s23 =	sadd.s32 $0xFFFF3CB0, s7  }
0x25: {  	[tilespmem:s22], [sflag:$0x1] =	stream.indirect.gather [hbm4b:s23+s9], $0x1, s2, s9, $0xb8;
	[tilespmem:$0x1D400] =	vst v63  }
0x26: {  	s24 =	simm.s32 $0x4C00;
	s25 =	sadd.s32 $0xFFFF6D84, s7  }
0x27: {  	[tilespmem:s24], [sflag:$0x1] =	stream.indirect.gather [hbm4b:s25+s9], $0x1, s2, s9, $0xb8;
	[tilespmem:$0x1D400] =	vst v63  }
0x28: {  	p1 =	por $0x1, $0x1;
	s26 =	simm.s32 $0x4E00;
	s28 =	sadd.s32 $0xFFFF9E58, s7  }
0x29: {  	[tilespmem:s26], [sflag:$0x1] =	stream.indirect.gather [hbm4b:s28+s9], $0x1, s2, s9, $0xb8;
	[tilespmem:$0x1D400] =	vst v63  }
0x2a: {  	s15 =	simm.s32 $0x8000;
	s29 =	simm.s32 $0x5000;
	s30 =	sadd.s32 $0xFFFFCF2C, s7  }
0x2b: {  	[tilespmem:s29], [sflag:$0x1] =	stream.indirect.gather [hbm4b:s30+s9], $0x1, s2, s9, $0xb8;
	[tilespmem:$0x1D400] =	vst v63  }
0x2c: {  	s31 =	simm.s32 $0x5200;
	s16 =	simm.s32 $0x200;
	s21 =	simm.s32 @!p1 $0x1  }
0x2d: {  	[tilespmem:s31], [sflag:$0x1] =	stream.indirect.gather [hbm4b:s7+s9], $0x1, s2, s9, $0xb8;
	[tilespmem:$0x1D400] =	vst v63  }
0x2e: {  	s17 =	sadd.s32 $0x30D40, s7;
	s18 =	simm.s32 $0x10000;
	_ =	swait.ge @!p1 [sflag:s21], $0x2000  }
.LBB2_2:
0x2f: {  	s20 =	sshra.s32 s15, $0x2  }
0x30: {  	[sflag:s21] =	ssyncset.done @!p1 $0x0;
	s19 =	smov.u32 s18;
	s18 =	sadd.s32 $0x8000, s18  }
0x31: {  	s23 =	sadd.s32 $0xFFFD2394, s17;
	s22 =	sadd.s32 $0x3400, s20;
	[sflag:s21] =	ssyncadd.s32 @!p1 $0xFFFFE000  }
0x32: {  	[tilespmem:s22], [sflag:$0x1] =	stream.indirect.gather [hbm4b:s23+s9], $0x1, s16, s9, $0xb8;
	[tilespmem:$0x1D400] =	vst v63  }
0x33: {  	p0 =	sne.s32 s18, $0x68000;
	s21 =	sadd.s32 $0x3600, s20;
	s22 =	sadd.s32 $0xFFFD5468, s17  }
0x34: {  	[tilespmem:s21], [sflag:$0x1] =	stream.indirect.gather [hbm4b:s22+s9], $0x1, s16, s9, $0xb8;
	[tilespmem:$0x1D400] =	vst v63  }
0x35: {  	s21 =	sadd.s32 $0x3800, s20;
	s22 =	sadd.s32 $0xFFFD853C, s17  }
0x36: {  	[tilespmem:s21], [sflag:$0x1] =	stream.indirect.gather [hbm4b:s22+s9], $0x1, s16, s9, $0xb8;
	[tilespmem:$0x1D400] =	vst v63  }
0x37: {  	s21 =	sadd.s32 $0x3A00, s20;
	s22 =	sadd.s32 $0xFFFDB610, s17  }
0x38: {  	[tilespmem:s21], [sflag:$0x1] =	stream.indirect.gather [hbm4b:s22+s9], $0x1, s16, s9, $0xb8;
	[tilespmem:$0x1D400] =	vst v63  }
0x39: {  	s21 =	sadd.s32 $0x3C00, s20;
	s22 =	sadd.s32 $0xFFFDE6E4, s17  }
0x3a: {  	[tilespmem:s21], [sflag:$0x1] =	stream.indirect.gather [hbm4b:s22+s9], $0x1, s16, s9, $0xb8;
	[tilespmem:$0x1D400] =	vst v63  }
0x3b: {  	s21 =	sadd.s32 $0x3E00, s20;
	s22 =	sadd.s32 $0xFFFE17B8, s17  }
0x3c: {  	[tilespmem:s21], [sflag:$0x1] =	stream.indirect.gather [hbm4b:s22+s9], $0x1, s16, s9, $0xb8;
	[tilespmem:$0x1D400] =	vst v63  }
0x3d: {  	s21 =	sadd.s32 $0x4000, s20;
	s22 =	sadd.s32 $0xFFFE488C, s17  }
0x3e: {  	[tilespmem:s21], [sflag:$0x1] =	stream.indirect.gather [hbm4b:s22+s9], $0x1, s16, s9, $0xb8;
	[tilespmem:$0x1D400] =	vst v63  }
0x3f: {  	s21 =	sadd.s32 $0x4200, s20;
	s22 =	sadd.s32 $0xFFFE7960, s17  }
0x40: {  	[tilespmem:s21], [sflag:$0x1] =	stream.indirect.gather [hbm4b:s22+s9], $0x1, s16, s9, $0xb8;
	[tilespmem:$0x1D400] =	vst v63  }
0x41: {  	s21 =	sadd.s32 $0x4400, s20;
	s22 =	sadd.s32 $0xFFFEAA34, s17  }
0x42: {  	[tilespmem:s21], [sflag:$0x1] =	stream.indirect.gather [hbm4b:s22+s9], $0x1, s16, s9, $0xb8;
	[tilespmem:$0x1D400] =	vst v63  }
0x43: {  	s21 =	sadd.s32 $0x4600, s20;
	s22 =	sadd.s32 $0xFFFEDB08, s17  }
0x44: {  	[tilespmem:s21], [sflag:$0x1] =	stream.indirect.gather [hbm4b:s22+s9], $0x1, s16, s9, $0xb8;
	[tilespmem:$0x1D400] =	vst v63  }
0x45: {  	s21 =	sadd.s32 $0x4800, s20;
	s22 =	sadd.s32 $0xFFFF0BDC, s17  }
0x46: {  	[tilespmem:s21], [sflag:$0x1] =	stream.indirect.gather [hbm4b:s22+s9], $0x1, s16, s9, $0xb8;
	[tilespmem:$0x1D400] =	vst v63  }
0x47: {  	s21 =	sadd.s32 $0x4A00, s20;
	s22 =	sadd.s32 $0xFFFF3CB0, s17  }
0x48: {  	[tilespmem:s21], [sflag:$0x1] =	stream.indirect.gather [hbm4b:s22+s9], $0x1, s16, s9, $0xb8;
	[tilespmem:$0x1D400] =	vst v63  }
0x49: {  	s21 =	sadd.s32 $0x4C00, s20;
	s22 =	sadd.s32 $0xFFFF6D84, s17  }
0x4a: {  	[tilespmem:s21], [sflag:$0x1] =	stream.indirect.gather [hbm4b:s22+s9], $0x1, s16, s9, $0xb8;
	[tilespmem:$0x1D400] =	vst v63  }
0x4b: {  	s21 =	sadd.s32 $0x4E00, s20;
	s22 =	sadd.s32 $0xFFFF9E58, s17  }
0x4c: {  	[tilespmem:s21], [sflag:$0x1] =	stream.indirect.gather [hbm4b:s22+s9], $0x1, s16, s9, $0xb8;
	[tilespmem:$0x1D400] =	vst v63  }
0x4d: {  	s21 =	sadd.s32 $0x5000, s20;
	s22 =	sadd.s32 $0xFFFFCF2C, s17  }
0x4e: {  	[tilespmem:s21], [sflag:$0x1] =	stream.indirect.gather [hbm4b:s22+s9], $0x1, s16, s9, $0xb8;
	[tilespmem:$0x1D400] =	vst v63  }
.Ltmp0:
0x4f: {  	_ = 	snop;
	(pc) =	sbr.rel @p0 .LBB2_2-.Ltmp0, $4  }
0x50: {  	p1 =	seq.s32 s15, $0x0;
	s15 =	smov.u32 s19;
	s20 =	sadd.s32 $0x5200, s20  }
0x51: {  	[tilespmem:s20], [sflag:$0x1] =	stream.indirect.gather [hbm4b:s17+s9], $0x1, s16, s9, $0xb8;
	[tilespmem:$0x1D400] =	vst v63  }
0x52: {  	s21 =	simm.s32 @!p1 $0x1  }
0x53: {  	s16 =	sadd.s32 $0x200, s16;
	s17 =	sadd.s32 $0x30D40, s17;
	_ =	swait.ge @!p1 [sflag:s21], $0x2000  }
0x54: {  	s18 =	sshra.s32 s15, $0x2;
	[sflag:s21] =	ssyncset.done @!p1 $0x0  }
0x55: {  	s20 =	sadd.s32 $0xFFFD2394, s17;
	s19 =	sadd.s32 $0x3400, s18;
	[sflag:s21] =	ssyncadd.s32 @!p1 $0xFFFFE000  }
0x56: {  	[tilespmem:s19], [sflag:$0x1] =	stream.indirect.gather [hbm4b:s20+s9], $0x1, s16, s9, $0xb8;
	[tilespmem:$0x1D400] =	vst v63  }
0x57: {  	s22 =	sadd.s32 $0xFFFD5468, s17;
	s21 =	sadd.s32 $0x3600, s18  }
0x58: {  	[tilespmem:s21], [sflag:$0x1] =	stream.indirect.gather [hbm4b:s22+s9], $0x1, s16, s9, $0xb8;
	[tilespmem:$0x1D400] =	vst v63  }
0x59: {  	s24 =	sadd.s32 $0xFFFD853C, s17;
	s23 =	sadd.s32 $0x3800, s18  }
0x5a: {  	[tilespmem:s23], [sflag:$0x1] =	stream.indirect.gather [hbm4b:s24+s9], $0x1, s16, s9, $0xb8;
	[tilespmem:$0x1D400] =	vst v63  }
0x5b: {  	s26 =	sadd.s32 $0xFFFDB610, s17;
	s25 =	sadd.s32 $0x3A00, s18  }
0x5c: {  	[tilespmem:s25], [sflag:$0x1] =	stream.indirect.gather [hbm4b:s26+s9], $0x1, s16, s9, $0xb8;
	[tilespmem:$0x1D400] =	vst v63  }
0x5d: {  	s29 =	sadd.s32 $0xFFFDE6E4, s17;
	s28 =	sadd.s32 $0x3C00, s18  }
0x5e: {  	[tilespmem:s28], [sflag:$0x1] =	stream.indirect.gather [hbm4b:s29+s9], $0x1, s16, s9, $0xb8;
	[tilespmem:$0x1D400] =	vst v63  }
0x5f: {  	s31 =	sadd.s32 $0xFFFE17B8, s17;
	s30 =	sadd.s32 $0x3E00, s18  }
0x60: {  	[tilespmem:s30], [sflag:$0x1] =	stream.indirect.gather [hbm4b:s31+s9], $0x1, s16, s9, $0xb8;
	[tilespmem:$0x1D400] =	vst v63  }
0x61: {  	s21 =	sadd.s32 $0x4000, s18;
	s22 =	sadd.s32 $0xFFFE488C, s17  }
0x62: {  	[tilespmem:s21], [sflag:$0x1] =	stream.indirect.gather [hbm4b:s22+s9], $0x1, s16, s9, $0xb8;
	[tilespmem:$0x1D400] =	vst v63  }
0x63: {  	s23 =	sadd.s32 $0x4200, s18;
	s24 =	sadd.s32 $0xFFFE7960, s17  }
0x64: {  	[tilespmem:s23], [sflag:$0x1] =	stream.indirect.gather [hbm4b:s24+s9], $0x1, s16, s9, $0xb8;
	[tilespmem:$0x1D400] =	vst v63  }
0x65: {  	s25 =	sadd.s32 $0x4400, s18;
	s26 =	sadd.s32 $0xFFFEAA34, s17  }
0x66: {  	[tilespmem:s25], [sflag:$0x1] =	stream.indirect.gather [hbm4b:s26+s9], $0x1, s16, s9, $0xb8;
	[tilespmem:$0x1D400] =	vst v63  }
0x67: {  	s28 =	sadd.s32 $0x4600, s18;
	s29 =	sadd.s32 $0xFFFEDB08, s17  }
0x68: {  	[tilespmem:s28], [sflag:$0x1] =	stream.indirect.gather [hbm4b:s29+s9], $0x1, s16, s9, $0xb8;
	[tilespmem:$0x1D400] =	vst v63  }
0x69: {  	s30 =	sadd.s32 $0x4800, s18;
	s31 =	sadd.s32 $0xFFFF0BDC, s17  }
0x6a: {  	[tilespmem:s30], [sflag:$0x1] =	stream.indirect.gather [hbm4b:s31+s9], $0x1, s16, s9, $0xb8;
	[tilespmem:$0x1D400] =	vst v63  }
0x6b: {  	s20 =	sadd.s32 $0x4A00, s18;
	s21 =	sadd.s32 $0xFFFF3CB0, s17  }
0x6c: {  	[tilespmem:s20], [sflag:$0x1] =	stream.indirect.gather [hbm4b:s21+s9], $0x1, s16, s9, $0xb8;
	[tilespmem:$0x1D400] =	vst v63  }
0x6d: {  	s22 =	sadd.s32 $0x4C00, s18;
	s23 =	sadd.s32 $0xFFFF6D84, s17  }
0x6e: {  	[tilespmem:s22], [sflag:$0x1] =	stream.indirect.gather [hbm4b:s23+s9], $0x1, s16, s9, $0xb8;
	[tilespmem:$0x1D400] =	vst v63  }
0x6f: {  	s24 =	sadd.s32 $0x4E00, s18;
	s25 =	sadd.s32 $0xFFFF9E58, s17  }
0x70: {  	[tilespmem:s24], [sflag:$0x1] =	stream.indirect.gather [hbm4b:s25+s9], $0x1, s16, s9, $0xb8;
	[tilespmem:$0x1D400] =	vst v63  }
0x71: {  	p0 =	seq.s32 s15, $0x0;
	s26 =	sadd.s32 $0x5000, s18;
	s28 =	sadd.s32 $0xFFFFCF2C, s17  }
0x72: {  	[tilespmem:s26], [sflag:$0x1] =	stream.indirect.gather [hbm4b:s28+s9], $0x1, s16, s9, $0xb8;
	[tilespmem:$0x1D400] =	vst v63  }
0x73: {  	s15 =	simm.s32 @!p0 $0x1;
	s18 =	sadd.s32 $0x5200, s18  }
0x74: {  	[tilespmem:s18], [sflag:$0x1] =	stream.indirect.gather [hbm4b:s17+s9], $0x1, s16, s9, $0xb8;
	[tilespmem:$0x1D400] =	vst v63  }
0x75: {  	_ =	swait.ge @!p0 [sflag:s15], $0x2000  }
0x76: {  	[sflag:s15] =	ssyncset.done @!p0 $0x0  }
0x77: {  	[sflag:s15] =	ssyncadd.s32 @!p0 $0xFFFFE000  }
0x78: {  	_ =	swait.ge [sflag:s12], $0x2000  }
0x79: {  	[sflag:s12] =	ssyncset.done $0x0  }
0x7a: {  	[sflag:s12] =	ssyncadd.s32 $0xFFFFE000  }
0x7b: {  	[hbm4b:s4+s9] =	stream.strided.scatter [tilespmem:s13], [sflag:$0x2], $0x1A000, s10, s9, $0x38;
	[tilespmem:$0x1D400] =	vst v63  }
0x7c: {  	_ =	swait.ge [sflag:s11], $0x1A000  }
0x7d: {  	[sflag:s11] =	ssyncset.done $0x0  }
0x7e: {  	s29 =	simm.s32 $0x3400;
	s15 =	simm.s32 $0x1A00;
	[sflag:s11] =	ssyncadd.s32 $0xFFFE6000  }
0x7f: {  	[tilespmem:s29], [sflag:$0x1] =	stream.indirect.gather [hbm4b:s8+s9], $0x1, s15, s9, $0xb8;
	[tilespmem:$0x1D400] =	vst v63  }
0x80: {  	s30 =	simm.s32 $0x3600;
	s31 =	sadd.s32 $0x30D4, s8  }
0x81: {  	[tilespmem:s30], [sflag:$0x1] =	stream.indirect.gather [hbm4b:s31+s9], $0x1, s15, s9, $0xb8;
	[tilespmem:$0x1D400] =	vst v63  }
0x82: {  	s17 =	simm.s32 $0x3800;
	s18 =	sadd.s32 $0x61A8, s8  }
0x83: {  	[tilespmem:s17], [sflag:$0x1] =	stream.indirect.gather [hbm4b:s18+s9], $0x1, s15, s9, $0xb8;
	[tilespmem:$0x1D400] =	vst v63  }
0x84: {  	s19 =	simm.s32 $0x3A00;
	s20 =	sadd.s32 $0x927C, s8  }
0x85: {  	[tilespmem:s19], [sflag:$0x1] =	stream.indirect.gather [hbm4b:s20+s9], $0x1, s15, s9, $0xb8;
	[tilespmem:$0x1D400] =	vst v63  }
0x86: {  	s21 =	simm.s32 $0x3C00;
	s22 =	sadd.s32 $0xC350, s8  }
0x87: {  	[tilespmem:s21], [sflag:$0x1] =	stream.indirect.gather [hbm4b:s22+s9], $0x1, s15, s9, $0xb8;
	[tilespmem:$0x1D400] =	vst v63  }
0x88: {  	s23 =	simm.s32 $0x3E00;
	s24 =	sadd.s32 $0xF424, s8  }
0x89: {  	[tilespmem:s23], [sflag:$0x1] =	stream.indirect.gather [hbm4b:s24+s9], $0x1, s15, s9, $0xb8;
	[tilespmem:$0x1D400] =	vst v63  }
0x8a: {  	s25 =	simm.s32 $0x4000;
	s26 =	sadd.s32 $0x124F8, s8  }
0x8b: {  	[tilespmem:s25], [sflag:$0x1] =	stream.indirect.gather [hbm4b:s26+s9], $0x1, s15, s9, $0xb8;
	[tilespmem:$0x1D400] =	vst v63  }
0x8c: {  	s28 =	simm.s32 $0x4200;
	s29 =	sadd.s32 $0x155CC, s8  }
0x8d: {  	[tilespmem:s28], [sflag:$0x1] =	stream.indirect.gather [hbm4b:s29+s9], $0x1, s15, s9, $0xb8;
	[tilespmem:$0x1D400] =	vst v63  }
0x8e: {  	s30 =	simm.s32 $0x4400;
	s31 =	sadd.s32 $0x186A0, s8  }
0x8f: {  	[tilespmem:s30], [sflag:$0x1] =	stream.indirect.gather [hbm4b:s31+s9], $0x1, s15, s9, $0xb8;
	[tilespmem:$0x1D400] =	vst v63  }
0x90: {  	s17 =	simm.s32 $0x4600;
	s18 =	sadd.s32 $0x1B774, s8  }
0x91: {  	[tilespmem:s17], [sflag:$0x1] =	stream.indirect.gather [hbm4b:s18+s9], $0x1, s15, s9, $0xb8;
	[tilespmem:$0x1D400] =	vst v63  }
0x92: {  	s19 =	simm.s32 $0x4800;
	s20 =	sadd.s32 $0x1E848, s8  }
0x93: {  	[tilespmem:s19], [sflag:$0x1] =	stream.indirect.gather [hbm4b:s20+s9], $0x1, s15, s9, $0xb8;
	[tilespmem:$0x1D400] =	vst v63  }
0x94: {  	s21 =	simm.s32 $0x4A00;
	s22 =	sadd.s32 $0x2191C, s8  }
0x95: {  	[tilespmem:s21], [sflag:$0x1] =	stream.indirect.gather [hbm4b:s22+s9], $0x1, s15, s9, $0xb8;
	[tilespmem:$0x1D400] =	vst v63  }
0x96: {  	p1 =	por $0x1, $0x1;
	s23 =	simm.s32 $0x4C00;
	s24 =	sadd.s32 $0x249F0, s8  }
0x97: {  	[tilespmem:s23], [sflag:$0x1] =	stream.indirect.gather [hbm4b:s24+s9], $0x1, s15, s9, $0xb8;
	[tilespmem:$0x1D400] =	vst v63  }
0x98: {  	s16 =	simm.s32 $0x8000;
	s25 =	simm.s32 $0x4E00;
	s26 =	sadd.s32 $0x27AC4, s8  }
0x99: {  	[tilespmem:s25], [sflag:$0x1] =	stream.indirect.gather [hbm4b:s26+s9], $0x1, s15, s9, $0xb8;
	[tilespmem:$0x1D400] =	vst v63  }
0x9a: {  	s28 =	simm.s32 $0x5000;
	s29 =	sadd.s32 $0x2AB98, s8;
	s30 =	simm.s32 $0x5200  }
0x9b: {  	[tilespmem:s28], [sflag:$0x1] =	stream.indirect.gather [hbm4b:s29+s9], $0x1, s15, s9, $0xb8;
	[tilespmem:$0x1D400] =	vst v63  }
0x9c: {  	s31 =	sadd.s32 $0x2DC6C, s8;
	s18 =	simm.s32 $0x10000;
	s21 =	simm.s32 @!p1 $0x1  }
0x9d: {  	[tilespmem:s30], [sflag:$0x1] =	stream.indirect.gather [hbm4b:s31+s9], $0x1, s15, s9, $0xb8;
	[tilespmem:$0x1D400] =	vst v63  }
0x9e: {  	s17 =	sadd.s32 $0x30D40, s8;
	s15 =	simm.s32 $0x1C00;
	_ =	swait.ge @!p1 [sflag:s21], $0x2000  }
.LBB2_4:
0x9f: {  	s20 =	sshra.s32 s16, $0x2  }
0xa0: {  	[sflag:s21] =	ssyncset.done @!p1 $0x0;
	s19 =	smov.u32 s18;
	s18 =	sadd.s32 $0x8000, s18  }
0xa1: {  	p0 =	sne.s32 s18, $0x68000;
	s22 =	sadd.s32 $0x3400, s20;
	[sflag:s21] =	ssyncadd.s32 @!p1 $0xFFFFE000  }
0xa2: {  	[tilespmem:s22], [sflag:$0x1] =	stream.indirect.gather [hbm4b:s17+s9], $0x1, s15, s9, $0xb8;
	[tilespmem:$0x1D400] =	vst v63  }
0xa3: {  	s21 =	sadd.s32 $0x3600, s20;
	s22 =	sadd.s32 $0x30D4, s17  }
0xa4: {  	[tilespmem:s21], [sflag:$0x1] =	stream.indirect.gather [hbm4b:s22+s9], $0x1, s15, s9, $0xb8;
	[tilespmem:$0x1D400] =	vst v63  }
0xa5: {  	s21 =	sadd.s32 $0x3800, s20;
	s22 =	sadd.s32 $0x61A8, s17  }
0xa6: {  	[tilespmem:s21], [sflag:$0x1] =	stream.indirect.gather [hbm4b:s22+s9], $0x1, s15, s9, $0xb8;
	[tilespmem:$0x1D400] =	vst v63  }
0xa7: {  	s21 =	sadd.s32 $0x3A00, s20;
	s22 =	sadd.s32 $0x927C, s17  }
0xa8: {  	[tilespmem:s21], [sflag:$0x1] =	stream.indirect.gather [hbm4b:s22+s9], $0x1, s15, s9, $0xb8;
	[tilespmem:$0x1D400] =	vst v63  }
0xa9: {  	s21 =	sadd.s32 $0x3C00, s20;
	s22 =	sadd.s32 $0xC350, s17  }
0xaa: {  	[tilespmem:s21], [sflag:$0x1] =	stream.indirect.gather [hbm4b:s22+s9], $0x1, s15, s9, $0xb8;
	[tilespmem:$0x1D400] =	vst v63  }
0xab: {  	s21 =	sadd.s32 $0x3E00, s20;
	s22 =	sadd.s32 $0xF424, s17  }
0xac: {  	[tilespmem:s21], [sflag:$0x1] =	stream.indirect.gather [hbm4b:s22+s9], $0x1, s15, s9, $0xb8;
	[tilespmem:$0x1D400] =	vst v63  }
0xad: {  	s21 =	sadd.s32 $0x4000, s20;
	s22 =	sadd.s32 $0x124F8, s17  }
0xae: {  	[tilespmem:s21], [sflag:$0x1] =	stream.indirect.gather [hbm4b:s22+s9], $0x1, s15, s9, $0xb8;
	[tilespmem:$0x1D400] =	vst v63  }
0xaf: {  	s21 =	sadd.s32 $0x4200, s20;
	s22 =	sadd.s32 $0x155CC, s17  }
0xb0: {  	[tilespmem:s21], [sflag:$0x1] =	stream.indirect.gather [hbm4b:s22+s9], $0x1, s15, s9, $0xb8;
	[tilespmem:$0x1D400] =	vst v63  }
0xb1: {  	s21 =	sadd.s32 $0x4400, s20;
	s22 =	sadd.s32 $0x186A0, s17  }
0xb2: {  	[tilespmem:s21], [sflag:$0x1] =	stream.indirect.gather [hbm4b:s22+s9], $0x1, s15, s9, $0xb8;
	[tilespmem:$0x1D400] =	vst v63  }
0xb3: {  	s21 =	sadd.s32 $0x4600, s20;
	s22 =	sadd.s32 $0x1B774, s17  }
0xb4: {  	[tilespmem:s21], [sflag:$0x1] =	stream.indirect.gather [hbm4b:s22+s9], $0x1, s15, s9, $0xb8;
	[tilespmem:$0x1D400] =	vst v63  }
0xb5: {  	s21 =	sadd.s32 $0x4800, s20;
	s22 =	sadd.s32 $0x1E848, s17  }
0xb6: {  	[tilespmem:s21], [sflag:$0x1] =	stream.indirect.gather [hbm4b:s22+s9], $0x1, s15, s9, $0xb8;
	[tilespmem:$0x1D400] =	vst v63  }
0xb7: {  	s21 =	sadd.s32 $0x4A00, s20;
	s22 =	sadd.s32 $0x2191C, s17  }
0xb8: {  	[tilespmem:s21], [sflag:$0x1] =	stream.indirect.gather [hbm4b:s22+s9], $0x1, s15, s9, $0xb8;
	[tilespmem:$0x1D400] =	vst v63  }
0xb9: {  	s21 =	sadd.s32 $0x4C00, s20;
	s22 =	sadd.s32 $0x249F0, s17  }
0xba: {  	[tilespmem:s21], [sflag:$0x1] =	stream.indirect.gather [hbm4b:s22+s9], $0x1, s15, s9, $0xb8;
	[tilespmem:$0x1D400] =	vst v63  }
0xbb: {  	s21 =	sadd.s32 $0x4E00, s20;
	s22 =	sadd.s32 $0x27AC4, s17  }
0xbc: {  	[tilespmem:s21], [sflag:$0x1] =	stream.indirect.gather [hbm4b:s22+s9], $0x1, s15, s9, $0xb8;
	[tilespmem:$0x1D400] =	vst v63  }
0xbd: {  	s21 =	sadd.s32 $0x5000, s20;
	s22 =	sadd.s32 $0x2AB98, s17  }
0xbe: {  	[tilespmem:s21], [sflag:$0x1] =	stream.indirect.gather [hbm4b:s22+s9], $0x1, s15, s9, $0xb8;
	[tilespmem:$0x1D400] =	vst v63  }
.Ltmp1:
0xbf: {  	_ = 	snop;
	(pc) =	sbr.rel @p0 .LBB2_4-.Ltmp1, $4  }
0xc0: {  	p1 =	seq.s32 s16, $0x0;
	s20 =	sadd.s32 $0x5200, s20;
	s21 =	sadd.s32 $0x2DC6C, s17  }
0xc1: {  	[tilespmem:s20], [sflag:$0x1] =	stream.indirect.gather [hbm4b:s21+s9], $0x1, s15, s9, $0xb8;
	[tilespmem:$0x1D400] =	vst v63  }
0xc2: {  	s16 =	smov.u32 s19;
	s21 =	simm.s32 @!p1 $0x1  }
0xc3: {  	s17 =	sadd.s32 $0x30D40, s17;
	s15 =	sadd.s32 $0x200, s15;
	_ =	swait.ge @!p1 [sflag:s21], $0x2000  }
0xc4: {  	s18 =	sshra.s32 s16, $0x2;
	[sflag:s21] =	ssyncset.done @!p1 $0x0  }
0xc5: {  	s19 =	sadd.s32 $0x3400, s18;
	[sflag:s21] =	ssyncadd.s32 @!p1 $0xFFFFE000  }
0xc6: {  	[tilespmem:s19], [sflag:$0x1] =	stream.indirect.gather [hbm4b:s17+s9], $0x1, s15, s9, $0xb8;
	[tilespmem:$0x1D400] =	vst v63  }
0xc7: {  	s20 =	sadd.s32 $0x30D4, s17;
	s24 =	sadd.s32 $0x3600, s18  }
0xc8: {  	[tilespmem:s24], [sflag:$0x1] =	stream.indirect.gather [hbm4b:s20+s9], $0x1, s15, s9, $0xb8;
	[tilespmem:$0x1D400] =	vst v63  }
0xc9: {  	s26 =	sadd.s32 $0x61A8, s17;
	s25 =	sadd.s32 $0x3800, s18  }
0xca: {  	[tilespmem:s25], [sflag:$0x1] =	stream.indirect.gather [hbm4b:s26+s9], $0x1, s15, s9, $0xb8;
	[tilespmem:$0x1D400] =	vst v63  }
0xcb: {  	s29 =	sadd.s32 $0x927C, s17;
	s28 =	sadd.s32 $0x3A00, s18  }
0xcc: {  	[tilespmem:s28], [sflag:$0x1] =	stream.indirect.gather [hbm4b:s29+s9], $0x1, s15, s9, $0xb8;
	[tilespmem:$0x1D400] =	vst v63  }
0xcd: {  	s31 =	sadd.s32 $0xC350, s17;
	s30 =	sadd.s32 $0x3C00, s18  }
0xce: {  	[tilespmem:s30], [sflag:$0x1] =	stream.indirect.gather [hbm4b:s31+s9], $0x1, s15, s9, $0xb8;
	[tilespmem:$0x1D400] =	vst v63  }
0xcf: {  	s22 =	sadd.s32 $0xF424, s17;
	s21 =	sadd.s32 $0x3E00, s18  }
0xd0: {  	[tilespmem:s21], [sflag:$0x1] =	stream.indirect.gather [hbm4b:s22+s9], $0x1, s15, s9, $0xb8;
	[tilespmem:$0x1D400] =	vst v63  }
0xd1: {  	s23 =	sadd.s32 $0x4000, s18;
	s24 =	sadd.s32 $0x124F8, s17  }
0xd2: {  	[tilespmem:s23], [sflag:$0x1] =	stream.indirect.gather [hbm4b:s24+s9], $0x1, s15, s9, $0xb8;
	[tilespmem:$0x1D400] =	vst v63  }
0xd3: {  	s25 =	sadd.s32 $0x4200, s18;
	s26 =	sadd.s32 $0x155CC, s17  }
0xd4: {  	[tilespmem:s25], [sflag:$0x1] =	stream.indirect.gather [hbm4b:s26+s9], $0x1, s15, s9, $0xb8;
	[tilespmem:$0x1D400] =	vst v63  }
0xd5: {  	s28 =	sadd.s32 $0x4400, s18;
	s29 =	sadd.s32 $0x186A0, s17  }
0xd6: {  	[tilespmem:s28], [sflag:$0x1] =	stream.indirect.gather [hbm4b:s29+s9], $0x1, s15, s9, $0xb8;
	[tilespmem:$0x1D400] =	vst v63  }
0xd7: {  	s30 =	sadd.s32 $0x4600, s18;
	s31 =	sadd.s32 $0x1B774, s17  }
0xd8: {  	[tilespmem:s30], [sflag:$0x1] =	stream.indirect.gather [hbm4b:s31+s9], $0x1, s15, s9, $0xb8;
	[tilespmem:$0x1D400] =	vst v63  }
0xd9: {  	s20 =	sadd.s32 $0x4800, s18;
	s21 =	sadd.s32 $0x1E848, s17  }
0xda: {  	[tilespmem:s20], [sflag:$0x1] =	stream.indirect.gather [hbm4b:s21+s9], $0x1, s15, s9, $0xb8;
	[tilespmem:$0x1D400] =	vst v63  }
0xdb: {  	s22 =	sadd.s32 $0x4A00, s18;
	s23 =	sadd.s32 $0x2191C, s17  }
0xdc: {  	[tilespmem:s22], [sflag:$0x1] =	stream.indirect.gather [hbm4b:s23+s9], $0x1, s15, s9, $0xb8;
	[tilespmem:$0x1D400] =	vst v63  }
0xdd: {  	s24 =	sadd.s32 $0x4C00, s18;
	s25 =	sadd.s32 $0x249F0, s17  }
0xde: {  	[tilespmem:s24], [sflag:$0x1] =	stream.indirect.gather [hbm4b:s25+s9], $0x1, s15, s9, $0xb8;
	[tilespmem:$0x1D400] =	vst v63  }
0xdf: {  	s26 =	sadd.s32 $0x4E00, s18;
	s28 =	sadd.s32 $0x27AC4, s17  }
0xe0: {  	[tilespmem:s26], [sflag:$0x1] =	stream.indirect.gather [hbm4b:s28+s9], $0x1, s15, s9, $0xb8;
	[tilespmem:$0x1D400] =	vst v63  }
0xe1: {  	s29 =	sadd.s32 $0x5000, s18;
	s30 =	sadd.s32 $0x2AB98, s17  }
0xe2: {  	[tilespmem:s29], [sflag:$0x1] =	stream.indirect.gather [hbm4b:s30+s9], $0x1, s15, s9, $0xb8;
	[tilespmem:$0x1D400] =	vst v63  }
0xe3: {  	p0 =	seq.s32 s16, $0x0;
	s18 =	sadd.s32 $0x5200, s18;
	s31 =	sadd.s32 $0x2DC6C, s17  }
0xe4: {  	[tilespmem:s18], [sflag:$0x1] =	stream.indirect.gather [hbm4b:s31+s9], $0x1, s15, s9, $0xb8;
	[tilespmem:$0x1D400] =	vst v63  }
0xe5: {  	s15 =	simm.s32 @!p0 $0x1  }
0xe6: {  	_ =	swait.ge @!p0 [sflag:s15], $0x2000  }
0xe7: {  	[sflag:s15] =	ssyncset.done @!p0 $0x0  }
0xe8: {  	[sflag:s15] =	ssyncadd.s32 @!p0 $0xFFFFE000  }
0xe9: {  	s14 =	sadd.s32 $0x1, s14;
	_ =	swait.ge [sflag:s12], $0x2000  }
0xea: {  	p0 =	sne.s32 s14, s6;
	[sflag:s12] =	ssyncset.done $0x0  }
.Ltmp2:
0xeb: {  	[sflag:s12] =	ssyncadd.s32 $0xFFFFE000;
	(pc) =	sbr.rel @p0 .LBB2_1-.Ltmp2, $4  }
0xec: {  	[hbm4b:s5+s9] =	stream.strided.scatter [tilespmem:s13], [sflag:$0x2], $0x1A000, s10, s9, $0x38;
	[tilespmem:$0x1D400] =	vst v63  }
0xed: {  	_ =	swait.ge [sflag:s11], $0x1A000  }
0xee: {  	[sflag:s11] =	ssyncset.done $0x0  }
0xef: {  	[sflag:s11] =	ssyncadd.s32 $0xFFFE6000  }
0xf0: {  	_ =	sfence.sel $0x180000  }
0xf1: {  	[bflag:$0x0] =	sbarrier.arrive $0xFFFF  }
0xf2: {  	p0 =	sne.s32 s1, $0x0;
	_ =	strace $0x90000047  }
0xf3: {  	s0 =	sadd.s32 @!p0 $0x100000, s0;
	[bflag:$0x2] =	sbarrier.arrive $0xFFFF  }
0xf4: {  	[sflag:s0] =	ssyncadd.tile.s32 @!p0 $0x1;
	_ =	shalt  }
.Lfunc_end2:
_tile_overlayer_lowered:
.L_overlay_start_2:
0xf5: {  	(tag) =	ssettag $0x2  }
0xf6: {  	s0 =	rddreg [dreg:$0x0];
	s2 =	stileid.u32  }
0xf7: {  	s1 =	rddreg [dreg:$0x1];
	p0 =	sne.s32 s2, $0x0  }
0xf8: {  	s3 =	rddreg [dreg:$0x2];
	[bflag:$0x3] =	sbarrier.arrive $0xFFFF;
	s2 =	simm.s32 @!p0 $0x1C02  }
0xf9: {  	[timem:s3], [sflag:s2] =	dma.local @!p0 [hbm:s0], s1  }
0xfa: {  	s0 =	simm.s32 @!p0 $0x2  }
0xfb: {  	_ =	swait.ge @!p0 [sflag:s0], s1  }
0xfc: {  	s1 =	ssub.s32 @!p0 $0x0, s1;
	[sflag:s0] =	ssyncset.done @!p0 $0x0  }
0xfd: {  	[sflag:s0] =	ssyncadd.s32 @!p0 s1  }
0xfe: {  	[bflag:$0x3] =	sbarrier.arrive $0xFFFF  }
0xff: {  	_ =	shalt  }

</sc_bundles>
